<compile_context>
chip_gen: v7x
topology: tpu7x:2x2x1
jax: 0.10.2.dev20260603
libtpu: 0.0.44.dev20260713+nightly
codegen_flags: <defaults>
</compile_context>

<pallas_src>
import functools

import jax
import jax.numpy as jnp
from jax import lax
from jax.experimental import pallas as pl
from jax.experimental.pallas import tpu as pltpu
from jax.experimental.pallas import tpu_sc as plsc

_N = 10000
_E = 320000
_H = 128
_G = 128
_C = 10

_NC = 2
_NS = 16
_NW = _NC * _NS
_NPAD = 10240
_ROWS_PER_TILE = _NPAD // _NS
_EDGES_PER_SC = _E // _NC
_EDGES_PER_TILE = _E // _NW
_K = 80
_CHUNKS = _EDGES_PER_TILE // _K


def _segment_sum_sc(h, src, dst, zeros):
    mesh = plsc.VectorSubcoreMesh(core_axis_name="c", subcore_axis_name="s")

    @functools.partial(
        pl.kernel,
        out_type=jax.ShapeDtypeStruct((_NC, _NPAD, _H), jnp.float32),
        mesh=mesh,
        scratch_types=[
            pltpu.VMEM((_K,), jnp.int32),
            pltpu.VMEM((_K,), jnp.int32),
            pltpu.VMEM((_K, _H), jnp.float32),
            pltpu.VMEM_SHARED((_NPAD, _H), jnp.float32),
            pltpu.SemaphoreType.DMA,
        ],
    )
    def seg_kernel(h_hbm, src_hbm, dst_hbm, z_hbm, out_hbm,
                   idx_s, idx_d, msgs, agg, sem):
        c = lax.axis_index("c")
        s = lax.axis_index("s")
        row0 = s * _ROWS_PER_TILE
        pltpu.sync_copy(z_hbm, agg.at[pl.ds(row0, _ROWS_PER_TILE)])
        plsc.subcore_barrier()

        ebase = c * _EDGES_PER_SC + s * _EDGES_PER_TILE

        def body(i, carry):
            off = ebase + i * _K
            pltpu.sync_copy(src_hbm.at[pl.ds(off, _K)], idx_s)
            pltpu.sync_copy(dst_hbm.at[pl.ds(off, _K)], idx_d)
            pltpu.async_copy(h_hbm.at[idx_s], msgs, sem).wait()
            pltpu.sync_copy(msgs, agg.at[idx_d], add=True)
            return carry

        lax.fori_loop(0, _CHUNKS, body, 0)
        plsc.subcore_barrier()
        pltpu.sync_copy(agg.at[pl.ds(row0, _ROWS_PER_TILE)],
                        out_hbm.at[c, pl.ds(row0, _ROWS_PER_TILE)])

    return seg_kernel(h, src, dst, zeros)


_BLK = 1000
_NBLK = _N // _BLK


def _mlp_body(h_ref, agg_ref, w1_ref, b1_ref, w2_ref, b2_ref, out_ref):
    z = h_ref[...] + agg_ref[0] + agg_ref[1]
    t = jnp.maximum(
        jnp.dot(z, w1_ref[...], preferred_element_type=jnp.float32)
        + b1_ref[...], 0.0)
    out_ref[...] = (
        jnp.dot(t, w2_ref[...], preferred_element_type=jnp.float32)
        + b2_ref[...])


def _gin_mlp_tc(h, agg_parts, w1, b1, w2, b2):
    return pl.pallas_call(
        _mlp_body,
        grid=(_NBLK,),
        in_specs=[
            pl.BlockSpec((_BLK, _H), lambda i: (i, 0)),
            pl.BlockSpec((_NC, _BLK, _H), lambda i: (0, i, 0)),
            pl.BlockSpec((_H, _H), lambda i: (0, 0)),
            pl.BlockSpec((1, _H), lambda i: (0, 0)),
            pl.BlockSpec((_H, _H), lambda i: (0, 0)),
            pl.BlockSpec((1, _H), lambda i: (0, 0)),
        ],
        out_specs=pl.BlockSpec((_BLK, _H), lambda i: (i, 0)),
        out_shape=jax.ShapeDtypeStruct((_N, _H), jnp.float32),
    )(h, agg_parts, w1, b1.reshape(1, _H), w2, b2.reshape(1, _H))


def _pool_body(batch_ref, h_ref, wp_ref, bp_ref, out_ref, sum_ref, cnt_ref):
    i = pl.program_id(0)

    @pl.when(i == 0)
    def _init():
        sum_ref[...] = jnp.zeros_like(sum_ref)
        cnt_ref[...] = jnp.zeros_like(cnt_ref)

    b = jnp.broadcast_to(batch_ref[...].reshape(1, _BLK), (_G, _BLK))
    gid = lax.broadcasted_iota(jnp.int32, (_G, _BLK), 0)
    onehot_t = (b == gid).astype(jnp.float32)
    sum_ref[...] += jnp.dot(onehot_t, h_ref[...],
                            preferred_element_type=jnp.float32)
    cnt_ref[...] += jnp.sum(onehot_t, axis=1, keepdims=True)

    @pl.when(i == _NBLK - 1)
    def _fin():
        pooled = sum_ref[...] / jnp.maximum(cnt_ref[...], 1.0)
        out_ref[...] = (
            jnp.dot(pooled, wp_ref[...], preferred_element_type=jnp.float32)
            + bp_ref[...])


def _pool_head_tc(h3, batch3d, wp, bp):
    return pl.pallas_call(
        _pool_body,
        grid=(_NBLK,),
        in_specs=[
            pl.BlockSpec((1, 1, _BLK), lambda i: (i, 0, 0)),
            pl.BlockSpec((_BLK, _H), lambda i: (i, 0)),
            pl.BlockSpec((_H, _C), lambda i: (0, 0)),
            pl.BlockSpec((1, _C), lambda i: (0, 0)),
        ],
        out_specs=pl.BlockSpec((_G, _C), lambda i: (0, 0)),
        out_shape=jax.ShapeDtypeStruct((_G, _C), jnp.float32),
        scratch_shapes=[
            pltpu.VMEM((_G, _H), jnp.float32),
            pltpu.VMEM((_G, 1), jnp.float32),
        ],
    )(batch3d, h3, wp, bp.reshape(1, _C))


def kernel(x, edge_index, edge_attr, batch, emb,
           W1_0, b1_0, W2_0, b2_0,
           W1_1, b1_1, W2_1, b2_1,
           W1_2, b1_2, W2_2, b2_2,
           Wp, bp):
    src = edge_index[0].astype(jnp.int32)
    dst = edge_index[1].astype(jnp.int32)
    zeros = jnp.zeros((_ROWS_PER_TILE, _H), jnp.float32)
    h = jnp.broadcast_to(emb[0].astype(jnp.float32), (_N, _H))
    batch3d = batch.astype(jnp.int32).reshape(_NBLK, 1, _BLK)

    for (w1, b1, w2, b2) in ((W1_0, b1_0, W2_0, b2_0),
                             (W1_1, b1_1, W2_1, b2_1),
                             (W1_2, b1_2, W2_2, b2_2)):
        agg_parts = _segment_sum_sc(h, src, dst, zeros)[:, :_N]
        h = _gin_mlp_tc(h, agg_parts, w1, b1, w2, b2)

    return _pool_head_tc(h, batch3d, Wp, bp)

# --- scband reference (transcript-rebuilt; emitter-appended) ---
"""Pipeline reference for scband-net-38122129719655 (READ-ONLY COPY).

The authoritative reference and input builder live on the scoring server;
editing this copy changes nothing except your own understanding.
"""

import jax, jax.numpy as jnp
import numpy as np

N = 10000
E = 320000
H = 128
L = 3
G = 128
C = 10
DE = 4

def setup_inputs(seed: int = 0) -> dict:
    key = jax.random.key(seed)
    ks = jax.random.split(key, 40)
    x = jax.random.randint(ks[0], (N,), 0, 1, dtype=jnp.int64) if jax.config.jax_enable_x64 else jax.random.randint(ks[0], (N,), 0, 1).astype(jnp.int32)
    edge_index = jax.random.randint(ks[1], (2, E), 0, N)
    edge_attr = jax.random.normal(ks[2], (E, DE), dtype=jnp.float32)
    batch = jnp.sort(jax.random.randint(ks[3], (N,), 0, G))
    inp = {"x": x, "edge_index": edge_index, "edge_attr": edge_attr, "batch": batch}
    inp["emb"] = jax.random.normal(ks[4], (1, H), dtype=jnp.float32) * 0.02
    for l in range(L):
        inp[f"W1_{l}"] = jax.random.normal(ks[5 + 4 * l], (H, H), dtype=jnp.float32) / np.sqrt(H)
        inp[f"b1_{l}"] = jnp.zeros((H,), dtype=jnp.float32)
        inp[f"W2_{l}"] = jax.random.normal(ks[6 + 4 * l], (H, H), dtype=jnp.float32) / np.sqrt(H)
        inp[f"b2_{l}"] = jnp.zeros((H,), dtype=jnp.float32)
    inp["Wp"] = jax.random.normal(ks[30], (H, C), dtype=jnp.float32) / np.sqrt(H)
    inp["bp"] = jnp.zeros((C,), dtype=jnp.float32)
    return inp

def _gin_conv(h, src, dst, W1, b1, W2, b2):
    # GIN: h' = MLP((1+eps)*h + sum_{j in N(i)} h_j), eps=0
    msgs = jnp.take(h, src, axis=0)
    agg = jax.ops.segment_sum(msgs, dst, num_segments=h.shape[0])
    z = h + agg
    z = jax.nn.relu(z @ W1 + b1)
    z = z @ W2 + b2
    return z

def reference(x, edge_index, edge_attr, batch, emb, W1_0, b1_0, W2_0, b2_0, W1_1, b1_1, W2_1, b2_1, W1_2, b1_2, W2_2, b2_2, Wp, bp):
    src, dst = edge_index[0], edge_index[1]
    h = jnp.take(emb, x, axis=0)  # node_encoder: Embedding(1, hidden)
    layers = [(W1_0, b1_0, W2_0, b2_0), (W1_1, b1_1, W2_1, b2_1), (W1_2, b1_2, W2_2, b2_2)]
    xs = []
    for (W1, b1, W2, b2) in layers:
        h = _gin_conv(h, src, dst, W1, b1, W2, b2)
        xs.append(h)
    nr = xs[-1]  # JK = 'last'
    # dropout p=0.0 / eval mode -> identity
    summed = jax.ops.segment_sum(nr, batch, num_segments=G)
    counts = jax.ops.segment_sum(jnp.ones((nr.shape[0],), dtype=nr.dtype), batch, num_segments=G)
    pooled = summed / jnp.maximum(counts, 1.0)[:, None]  # global_mean_pool
    return pooled @ Wp + bp

if __name__ == "__main__":
    import jax
    _d = setup_inputs()
    print(jax.jit(kernel)(*tuple(_d.values())))

</pallas_src>

<mosaic_0001>
#map = affine_map<(d0, d1) -> (0, 0)>
#map1 = affine_map<(d0, d1) -> (0)>
#map2 = affine_map<(d0, d1) -> (0, 0, 0)>
module attributes {stable_mosaic.version = 14 : i64} {
  func.func @seg_kernel(%arg0: i32, %arg1: i32, %arg2: memref<10000x128xf32, #tpu.memory_space<hbm>>, %arg3: memref<320000xi32, #tpu.memory_space<hbm>>, %arg4: memref<320000xi32, #tpu.memory_space<hbm>>, %arg5: memref<640x128xf32, #tpu.memory_space<hbm>>, %arg6: memref<2x10240x128xf32, #tpu.memory_space<hbm>>, %arg7: memref<80xi32, #tpu.memory_space<vmem>>, %arg8: memref<80xi32, #tpu.memory_space<vmem>>, %arg9: memref<80x128xf32, #tpu.memory_space<vmem>>, %arg10: memref<10240x128xf32, #tpu.memory_space<vmem_shared>>, %arg11: memref<!tpu.dma_semaphore, #tpu.memory_space<semaphore_mem>>) attributes {dimension_semantics = [#tpu.dimension_semantics<core_parallel>, #tpu.dimension_semantics<subcore_parallel>], iteration_bounds = array<i64: 2, 16>, scalar_prefetch = 0 : i64, scratch_operands = 5 : i64, tpu.core_type = #tpu.core_type<sc_vector_subcore>, window_params = [{transform_indices = #map}, {transform_indices = #map1}, {transform_indices = #map1}, {transform_indices = #map}, {transform_indices = #map2}]} {
    %mul3A = arith.constant 640 : i32
    %mul3A_0 = arith.muli %arg1, %mul3A : i32
    "tpu.region"() ({
      %run_scoped3A = tpu.sem_alloc : memref<!tpu.dma_semaphore, #tpu.memory_space<semaphore_mem>>
      %dma_start3A = arith.constant 0 : i32
      %dma_start3A_11 = tpu.memref_slice %arg10[%mul3A_0, %dma_start3A] : memref<10240x128xf32, #tpu.memory_space<vmem_shared>> -> memref<640x128xf32, #tpu.memory_space<vmem_shared>>
      tpu.enqueue_dma source(%arg5 : memref<640x128xf32, #tpu.memory_space<hbm>>) target(%dma_start3A_11 : memref<640x128xf32, #tpu.memory_space<vmem_shared>>) target_semaphore(%run_scoped3A : memref<!tpu.dma_semaphore, #tpu.memory_space<semaphore_mem>>)
      %dma_wait3A = arith.constant 0 : i32
      %dma_wait3A_12 = tpu.memref_slice %arg10[%mul3A_0, %dma_wait3A] : memref<10240x128xf32, #tpu.memory_space<vmem_shared>> -> memref<640x128xf32, #tpu.memory_space<vmem_shared>>
      tpu.wait_dma2 semaphore(%run_scoped3A : memref<!tpu.dma_semaphore, #tpu.memory_space<semaphore_mem>>) src(%arg5 : memref<640x128xf32, #tpu.memory_space<hbm>>) dst(%dma_wait3A_12 : memref<640x128xf32, #tpu.memory_space<vmem_shared>>)
      tpu.yield
    }) : () -> ()
    %barrier3A = arith.constant 0 : index
    tpu.barrier barrier_id(%barrier3A)
    %mul3A_1 = arith.constant 160000 : i32
    %mul3A_2 = arith.muli %arg0, %mul3A_1 : i32
    %mul3A_3 = arith.constant 10000 : i32
    %mul3A_4 = arith.muli %arg1, %mul3A_3 : i32
    %add3A = arith.addi %mul3A_2, %mul3A_4 : i32
    %scan3A = arith.constant 0 : i32
    %scan3A_5 = arith.constant 0 : i32
    %scan3A_6 = arith.constant 125 : i32
    %scan3A_7 = arith.addi %scan3A_5, %scan3A_6 : i32
    %scan3A_8 = arith.constant 1 : i32
    scf.for %scan3A_11 = %scan3A_5 to %scan3A_7 step %scan3A_8  : i32 {
      %mul3A_12 = arith.constant 80 : i32
      %mul3A_13 = arith.muli %scan3A_11, %mul3A_12 : i32
      %add3A_14 = arith.addi %add3A, %mul3A_13 : i32
      "tpu.region"() ({
        %run_scoped3A = tpu.sem_alloc : memref<!tpu.dma_semaphore, #tpu.memory_space<semaphore_mem>>
        %dma_start3A_19 = tpu.memref_slice %arg3[%add3A_14] : memref<320000xi32, #tpu.memory_space<hbm>> -> memref<80xi32, #tpu.memory_space<hbm>>
        %dma_start3A_20 = tpu.memref_slice %arg3[%add3A_14] : memref<320000xi32, #tpu.memory_space<hbm>> -> memref<80xi32, #tpu.memory_space<hbm>>
        tpu.enqueue_dma source(%dma_start3A_20 : memref<80xi32, #tpu.memory_space<hbm>>) target(%arg7 : memref<80xi32, #tpu.memory_space<vmem>>) target_semaphore(%run_scoped3A : memref<!tpu.dma_semaphore, #tpu.memory_space<semaphore_mem>>)
        %dma_wait3A_21 = tpu.memref_slice %arg3[%add3A_14] : memref<320000xi32, #tpu.memory_space<hbm>> -> memref<80xi32, #tpu.memory_space<hbm>>
        %dma_wait3A_22 = tpu.memref_slice %arg3[%add3A_14] : memref<320000xi32, #tpu.memory_space<hbm>> -> memref<80xi32, #tpu.memory_space<hbm>>
        tpu.wait_dma2 semaphore(%run_scoped3A : memref<!tpu.dma_semaphore, #tpu.memory_space<semaphore_mem>>) src(%dma_wait3A_22 : memref<80xi32, #tpu.memory_space<hbm>>) dst(%arg7 : memref<80xi32, #tpu.memory_space<vmem>>)
        tpu.yield
      }) : () -> ()
      "tpu.region"() ({
        %run_scoped3A = tpu.sem_alloc : memref<!tpu.dma_semaphore, #tpu.memory_space<semaphore_mem>>
        %dma_start3A_19 = tpu.memref_slice %arg4[%add3A_14] : memref<320000xi32, #tpu.memory_space<hbm>> -> memref<80xi32, #tpu.memory_space<hbm>>
        %dma_start3A_20 = tpu.memref_slice %arg4[%add3A_14] : memref<320000xi32, #tpu.memory_space<hbm>> -> memref<80xi32, #tpu.memory_space<hbm>>
        tpu.enqueue_dma source(%dma_start3A_20 : memref<80xi32, #tpu.memory_space<hbm>>) target(%arg8 : memref<80xi32, #tpu.memory_space<vmem>>) target_semaphore(%run_scoped3A : memref<!tpu.dma_semaphore, #tpu.memory_space<semaphore_mem>>)
        %dma_wait3A_21 = tpu.memref_slice %arg4[%add3A_14] : memref<320000xi32, #tpu.memory_space<hbm>> -> memref<80xi32, #tpu.memory_space<hbm>>
        %dma_wait3A_22 = tpu.memref_slice %arg4[%add3A_14] : memref<320000xi32, #tpu.memory_space<hbm>> -> memref<80xi32, #tpu.memory_space<hbm>>
        tpu.wait_dma2 semaphore(%run_scoped3A : memref<!tpu.dma_semaphore, #tpu.memory_space<semaphore_mem>>) src(%dma_wait3A_22 : memref<80xi32, #tpu.memory_space<hbm>>) dst(%arg8 : memref<80xi32, #tpu.memory_space<vmem>>)
        tpu.yield
      }) : () -> ()
      %dma_start3A = arith.constant 0 : i32
      %dma_start3A_15 = arith.constant 0 : i32
      %dma_start3A_16 = tpu.memref_slice %arg2[%dma_start3A, %dma_start3A_15] : memref<10000x128xf32, #tpu.memory_space<hbm>> -> memref<10000x128xf32, #tpu.memory_space<hbm>>
      tpu.enqueue_indirect_dma source(%dma_start3A_16 : memref<10000x128xf32, #tpu.memory_space<hbm>>) target(%arg9 : memref<80x128xf32, #tpu.memory_space<vmem>>) offsets(%arg7 : memref<80xi32, #tpu.memory_space<vmem>>) semaphore(%arg11 : memref<!tpu.dma_semaphore, #tpu.memory_space<semaphore_mem>>)
      %dma_wait3A = arith.constant 0 : i32
      %dma_wait3A_17 = arith.constant 0 : i32
      %dma_wait3A_18 = tpu.memref_slice %arg2[%dma_wait3A, %dma_wait3A_17] : memref<10000x128xf32, #tpu.memory_space<hbm>> -> memref<10000x128xf32, #tpu.memory_space<hbm>>
      tpu.wait_indirect_dma semaphore(%arg11 : memref<!tpu.dma_semaphore, #tpu.memory_space<semaphore_mem>>) src(%dma_wait3A_18 : memref<10000x128xf32, #tpu.memory_space<hbm>>) dst(%arg9 : memref<80x128xf32, #tpu.memory_space<vmem>>)
      "tpu.region"() ({
        %run_scoped3A = tpu.sem_alloc : memref<!tpu.dma_semaphore, #tpu.memory_space<semaphore_mem>>
        %dma_start3A_19 = arith.constant 0 : i32
        %dma_start3A_20 = arith.constant 0 : i32
        %dma_start3A_21 = tpu.memref_slice %arg10[%dma_start3A_19, %dma_start3A_20] : memref<10240x128xf32, #tpu.memory_space<vmem_shared>> -> memref<10240x128xf32, #tpu.memory_space<vmem_shared>>
        tpu.enqueue_indirect_dma source(%arg9 : memref<80x128xf32, #tpu.memory_space<vmem>>) target(%dma_start3A_21 : memref<10240x128xf32, #tpu.memory_space<vmem_shared>>) offsets(%arg8 : memref<80xi32, #tpu.memory_space<vmem>>) semaphore(%run_scoped3A : memref<!tpu.dma_semaphore, #tpu.memory_space<semaphore_mem>>) {add = true}
        %dma_wait3A_22 = arith.constant 0 : i32
        %dma_wait3A_23 = arith.constant 0 : i32
        %dma_wait3A_24 = tpu.memref_slice %arg10[%dma_wait3A_22, %dma_wait3A_23] : memref<10240x128xf32, #tpu.memory_space<vmem_shared>> -> memref<10240x128xf32, #tpu.memory_space<vmem_shared>>
        tpu.wait_indirect_dma semaphore(%run_scoped3A : memref<!tpu.dma_semaphore, #tpu.memory_space<semaphore_mem>>) src(%arg9 : memref<80x128xf32, #tpu.memory_space<vmem>>) dst(%dma_wait3A_24 : memref<10240x128xf32, #tpu.memory_space<vmem_shared>>)
        tpu.yield
      }) : () -> ()
    }
    %scan3A_9 = arith.constant 125 : i32
    %barrier3A_10 = arith.constant 0 : index
    tpu.barrier barrier_id(%barrier3A_10)
    "tpu.region"() ({
      %run_scoped3A = tpu.sem_alloc : memref<!tpu.dma_semaphore, #tpu.memory_space<semaphore_mem>>
      %dma_start3A = arith.constant 0 : i32
      %dma_start3A_11 = tpu.memref_slice %arg6[%arg0, %mul3A_0, %dma_start3A] : memref<2x10240x128xf32, #tpu.memory_space<hbm>> -> memref<1x640x128xf32, #tpu.memory_space<hbm>>
      %dma_start3A_12 = tpu.memref_squeeze %dma_start3A_11 : memref<1x640x128xf32, #tpu.memory_space<hbm>> -> memref<640x128xf32, #tpu.memory_space<hbm>>
      %dma_start3A_13 = arith.constant 0 : i32
      %dma_start3A_14 = tpu.memref_slice %arg10[%mul3A_0, %dma_start3A_13] : memref<10240x128xf32, #tpu.memory_space<vmem_shared>> -> memref<640x128xf32, #tpu.memory_space<vmem_shared>>
      tpu.enqueue_dma source(%dma_start3A_14 : memref<640x128xf32, #tpu.memory_space<vmem_shared>>) target(%dma_start3A_12 : memref<640x128xf32, #tpu.memory_space<hbm>>) target_semaphore(%run_scoped3A : memref<!tpu.dma_semaphore, #tpu.memory_space<semaphore_mem>>)
      %dma_wait3A = arith.constant 0 : i32
      %dma_wait3A_15 = tpu.memref_slice %arg6[%arg0, %mul3A_0, %dma_wait3A] : memref<2x10240x128xf32, #tpu.memory_space<hbm>> -> memref<1x640x128xf32, #tpu.memory_space<hbm>>
      %dma_wait3A_16 = tpu.memref_squeeze %dma_wait3A_15 : memref<1x640x128xf32, #tpu.memory_space<hbm>> -> memref<640x128xf32, #tpu.memory_space<hbm>>
      %dma_wait3A_17 = arith.constant 0 : i32
      %dma_wait3A_18 = tpu.memref_slice %arg10[%mul3A_0, %dma_wait3A_17] : memref<10240x128xf32, #tpu.memory_space<vmem_shared>> -> memref<640x128xf32, #tpu.memory_space<vmem_shared>>
      tpu.wait_dma2 semaphore(%run_scoped3A : memref<!tpu.dma_semaphore, #tpu.memory_space<semaphore_mem>>) src(%dma_wait3A_18 : memref<640x128xf32, #tpu.memory_space<vmem_shared>>) dst(%dma_wait3A_16 : memref<640x128xf32, #tpu.memory_space<hbm>>)
      tpu.yield
    }) : () -> ()
    return
  }
}

#map = affine_map<(d0, d1) -> (0, 0)>
#map1 = affine_map<(d0, d1) -> (0)>
#map2 = affine_map<(d0, d1) -> (0, 0, 0)>
module attributes {stable_mosaic.version = 14 : i64} {
  func.func @seg_kernel(%arg0: i32, %arg1: i32, %arg2: memref<10000x128xf32, #tpu.memory_space<hbm>>, %arg3: memref<320000xi32, #tpu.memory_space<hbm>>, %arg4: memref<320000xi32, #tpu.memory_space<hbm>>, %arg5: memref<640x128xf32, #tpu.memory_space<hbm>>, %arg6: memref<2x10240x128xf32, #tpu.memory_space<hbm>>, %arg7: memref<80xi32, #tpu.memory_space<vmem>>, %arg8: memref<80xi32, #tpu.memory_space<vmem>>, %arg9: memref<80x128xf32, #tpu.memory_space<vmem>>, %arg10: memref<10240x128xf32, #tpu.memory_space<vmem_shared>>, %arg11: memref<!tpu.dma_semaphore, #tpu.memory_space<semaphore_mem>>) attributes {dimension_semantics = [#tpu.dimension_semantics<core_parallel>, #tpu.dimension_semantics<subcore_parallel>], iteration_bounds = array<i64: 2, 16>, scalar_prefetch = 0 : i64, scratch_operands = 5 : i64, tpu.core_type = #tpu.core_type<sc_vector_subcore>, window_params = [{transform_indices = #map}, {transform_indices = #map1}, {transform_indices = #map1}, {transform_indices = #map}, {transform_indices = #map2}]} {
    %mul3A = arith.constant 640 : i32
    %mul3A_0 = arith.muli %arg1, %mul3A : i32
    "tpu.region"() ({
      %run_scoped3A = tpu.sem_alloc : memref<!tpu.dma_semaphore, #tpu.memory_space<semaphore_mem>>
      %dma_start3A = arith.constant 0 : i32
      %dma_start3A_11 = tpu.memref_slice %arg10[%mul3A_0, %dma_start3A] : memref<10240x128xf32, #tpu.memory_space<vmem_shared>> -> memref<640x128xf32, #tpu.memory_space<vmem_shared>>
      tpu.enqueue_dma source(%arg5 : memref<640x128xf32, #tpu.memory_space<hbm>>) target(%dma_start3A_11 : memref<640x128xf32, #tpu.memory_space<vmem_shared>>) target_semaphore(%run_scoped3A : memref<!tpu.dma_semaphore, #tpu.memory_space<semaphore_mem>>)
      %dma_wait3A = arith.constant 0 : i32
      %dma_wait3A_12 = tpu.memref_slice %arg10[%mul3A_0, %dma_wait3A] : memref<10240x128xf32, #tpu.memory_space<vmem_shared>> -> memref<640x128xf32, #tpu.memory_space<vmem_shared>>
      tpu.wait_dma2 semaphore(%run_scoped3A : memref<!tpu.dma_semaphore, #tpu.memory_space<semaphore_mem>>) src(%arg5 : memref<640x128xf32, #tpu.memory_space<hbm>>) dst(%dma_wait3A_12 : memref<640x128xf32, #tpu.memory_space<vmem_shared>>)
      tpu.yield
    }) : () -> ()
    %barrier3A = arith.constant 0 : index
    tpu.barrier barrier_id(%barrier3A)
    %mul3A_1 = arith.constant 160000 : i32
    %mul3A_2 = arith.muli %arg0, %mul3A_1 : i32
    %mul3A_3 = arith.constant 10000 : i32
    %mul3A_4 = arith.muli %arg1, %mul3A_3 : i32
    %add3A = arith.addi %mul3A_2, %mul3A_4 : i32
    %scan3A = arith.constant 0 : i32
    %scan3A_5 = arith.constant 0 : i32
    %scan3A_6 = arith.constant 125 : i32
    %scan3A_7 = arith.addi %scan3A_5, %scan3A_6 : i32
    %scan3A_8 = arith.constant 1 : i32
    scf.for %scan3A_11 = %scan3A_5 to %scan3A_7 step %scan3A_8  : i32 {
      %mul3A_12 = arith.constant 80 : i32
      %mul3A_13 = arith.muli %scan3A_11, %mul3A_12 : i32
      %add3A_14 = arith.addi %add3A, %mul3A_13 : i32
      "tpu.region"() ({
        %run_scoped3A = tpu.sem_alloc : memref<!tpu.dma_semaphore, #tpu.memory_space<semaphore_mem>>
        %dma_start3A_19 = tpu.memref_slice %arg3[%add3A_14] : memref<320000xi32, #tpu.memory_space<hbm>> -> memref<80xi32, #tpu.memory_space<hbm>>
        %dma_start3A_20 = tpu.memref_slice %arg3[%add3A_14] : memref<320000xi32, #tpu.memory_space<hbm>> -> memref<80xi32, #tpu.memory_space<hbm>>
        tpu.enqueue_dma source(%dma_start3A_20 : memref<80xi32, #tpu.memory_space<hbm>>) target(%arg7 : memref<80xi32, #tpu.memory_space<vmem>>) target_semaphore(%run_scoped3A : memref<!tpu.dma_semaphore, #tpu.memory_space<semaphore_mem>>)
        %dma_wait3A_21 = tpu.memref_slice %arg3[%add3A_14] : memref<320000xi32, #tpu.memory_space<hbm>> -> memref<80xi32, #tpu.memory_space<hbm>>
        %dma_wait3A_22 = tpu.memref_slice %arg3[%add3A_14] : memref<320000xi32, #tpu.memory_space<hbm>> -> memref<80xi32, #tpu.memory_space<hbm>>
        tpu.wait_dma2 semaphore(%run_scoped3A : memref<!tpu.dma_semaphore, #tpu.memory_space<semaphore_mem>>) src(%dma_wait3A_22 : memref<80xi32, #tpu.memory_space<hbm>>) dst(%arg7 : memref<80xi32, #tpu.memory_space<vmem>>)
        tpu.yield
      }) : () -> ()
      "tpu.region"() ({
        %run_scoped3A = tpu.sem_alloc : memref<!tpu.dma_semaphore, #tpu.memory_space<semaphore_mem>>
        %dma_start3A_19 = tpu.memref_slice %arg4[%add3A_14] : memref<320000xi32, #tpu.memory_space<hbm>> -> memref<80xi32, #tpu.memory_space<hbm>>
        %dma_start3A_20 = tpu.memref_slice %arg4[%add3A_14] : memref<320000xi32, #tpu.memory_space<hbm>> -> memref<80xi32, #tpu.memory_space<hbm>>
        tpu.enqueue_dma source(%dma_start3A_20 : memref<80xi32, #tpu.memory_space<hbm>>) target(%arg8 : memref<80xi32, #tpu.memory_space<vmem>>) target_semaphore(%run_scoped3A : memref<!tpu.dma_semaphore, #tpu.memory_space<semaphore_mem>>)
        %dma_wait3A_21 = tpu.memref_slice %arg4[%add3A_14] : memref<320000xi32, #tpu.memory_space<hbm>> -> memref<80xi32, #tpu.memory_space<hbm>>
        %dma_wait3A_22 = tpu.memref_slice %arg4[%add3A_14] : memref<320000xi32, #tpu.memory_space<hbm>> -> memref<80xi32, #tpu.memory_space<hbm>>
        tpu.wait_dma2 semaphore(%run_scoped3A : memref<!tpu.dma_semaphore, #tpu.memory_space<semaphore_mem>>) src(%dma_wait3A_22 : memref<80xi32, #tpu.memory_space<hbm>>) dst(%arg8 : memref<80xi32, #tpu.memory_space<vmem>>)
        tpu.yield
      }) : () -> ()
      %dma_start3A = arith.constant 0 : i32
      %dma_start3A_15 = arith.constant 0 : i32
      %dma_start3A_16 = tpu.memref_slice %arg2[%dma_start3A, %dma_start3A_15] : memref<10000x128xf32, #tpu.memory_space<hbm>> -> memref<10000x128xf32, #tpu.memory_space<hbm>>
      tpu.enqueue_indirect_dma source(%dma_start3A_16 : memref<10000x128xf32, #tpu.memory_space<hbm>>) target(%arg9 : memref<80x128xf32, #tpu.memory_space<vmem>>) offsets(%arg7 : memref<80xi32, #tpu.memory_space<vmem>>) semaphore(%arg11 : memref<!tpu.dma_semaphore, #tpu.memory_space<semaphore_mem>>)
      %dma_wait3A = arith.constant 0 : i32
      %dma_wait3A_17 = arith.constant 0 : i32
      %dma_wait3A_18 = tpu.memref_slice %arg2[%dma_wait3A, %dma_wait3A_17] : memref<10000x128xf32, #tpu.memory_space<hbm>> -> memref<10000x128xf32, #tpu.memory_space<hbm>>
      tpu.wait_indirect_dma semaphore(%arg11 : memref<!tpu.dma_semaphore, #tpu.memory_space<semaphore_mem>>) src(%dma_wait3A_18 : memref<10000x128xf32, #tpu.memory_space<hbm>>) dst(%arg9 : memref<80x128xf32, #tpu.memory_space<vmem>>)
      "tpu.region"() ({
        %run_scoped3A = tpu.sem_alloc : memref<!tpu.dma_semaphore, #tpu.memory_space<semaphore_mem>>
        %dma_start3A_19 = arith.constant 0 : i32
        %dma_start3A_20 = arith.constant 0 : i32
        %dma_start3A_21 = tpu.memref_slice %arg10[%dma_start3A_19, %dma_start3A_20] : memref<10240x128xf32, #tpu.memory_space<vmem_shared>> -> memref<10240x128xf32, #tpu.memory_space<vmem_shared>>
        tpu.enqueue_indirect_dma source(%arg9 : memref<80x128xf32, #tpu.memory_space<vmem>>) target(%dma_start3A_21 : memref<10240x128xf32, #tpu.memory_space<vmem_shared>>) offsets(%arg8 : memref<80xi32, #tpu.memory_space<vmem>>) semaphore(%run_scoped3A : memref<!tpu.dma_semaphore, #tpu.memory_space<semaphore_mem>>) {add = true}
        %dma_wait3A_22 = arith.constant 0 : i32
        %dma_wait3A_23 = arith.constant 0 : i32
        %dma_wait3A_24 = tpu.memref_slice %arg10[%dma_wait3A_22, %dma_wait3A_23] : memref<10240x128xf32, #tpu.memory_space<vmem_shared>> -> memref<10240x128xf32, #tpu.memory_space<vmem_shared>>
        tpu.wait_indirect_dma semaphore(%run_scoped3A : memref<!tpu.dma_semaphore, #tpu.memory_space<semaphore_mem>>) src(%arg9 : memref<80x128xf32, #tpu.memory_space<vmem>>) dst(%dma_wait3A_24 : memref<10240x128xf32, #tpu.memory_space<vmem_shared>>)
        tpu.yield
      }) : () -> ()
    }
    %scan3A_9 = arith.constant 125 : i32
    %barrier3A_10 = arith.constant 0 : index
    tpu.barrier barrier_id(%barrier3A_10)
    "tpu.region"() ({
      %run_scoped3A = tpu.sem_alloc : memref<!tpu.dma_semaphore, #tpu.memory_space<semaphore_mem>>
      %dma_start3A = arith.constant 0 : i32
      %dma_start3A_11 = tpu.memref_slice %arg6[%arg0, %mul3A_0, %dma_start3A] : memref<2x10240x128xf32, #tpu.memory_space<hbm>> -> memref<1x640x128xf32, #tpu.memory_space<hbm>>
      %dma_start3A_12 = tpu.memref_squeeze %dma_start3A_11 : memref<1x640x128xf32, #tpu.memory_space<hbm>> -> memref<640x128xf32, #tpu.memory_space<hbm>>
      %dma_start3A_13 = arith.constant 0 : i32
      %dma_start3A_14 = tpu.memref_slice %arg10[%mul3A_0, %dma_start3A_13] : memref<10240x128xf32, #tpu.memory_space<vmem_shared>> -> memref<640x128xf32, #tpu.memory_space<vmem_shared>>
      tpu.enqueue_dma source(%dma_start3A_14 : memref<640x128xf32, #tpu.memory_space<vmem_shared>>) target(%dma_start3A_12 : memref<640x128xf32, #tpu.memory_space<hbm>>) target_semaphore(%run_scoped3A : memref<!tpu.dma_semaphore, #tpu.memory_space<semaphore_mem>>)
      %dma_wait3A = arith.constant 0 : i32
      %dma_wait3A_15 = tpu.memref_slice %arg6[%arg0, %mul3A_0, %dma_wait3A] : memref<2x10240x128xf32, #tpu.memory_space<hbm>> -> memref<1x640x128xf32, #tpu.memory_space<hbm>>
      %dma_wait3A_16 = tpu.memref_squeeze %dma_wait3A_15 : memref<1x640x128xf32, #tpu.memory_space<hbm>> -> memref<640x128xf32, #tpu.memory_space<hbm>>
      %dma_wait3A_17 = arith.constant 0 : i32
      %dma_wait3A_18 = tpu.memref_slice %arg10[%mul3A_0, %dma_wait3A_17] : memref<10240x128xf32, #tpu.memory_space<vmem_shared>> -> memref<640x128xf32, #tpu.memory_space<vmem_shared>>
      tpu.wait_dma2 semaphore(%run_scoped3A : memref<!tpu.dma_semaphore, #tpu.memory_space<semaphore_mem>>) src(%dma_wait3A_18 : memref<640x128xf32, #tpu.memory_space<vmem_shared>>) dst(%dma_wait3A_16 : memref<640x128xf32, #tpu.memory_space<hbm>>)
      tpu.yield
    }) : () -> ()
    return
  }
}

#map = affine_map<(d0, d1) -> (0, 0)>
#map1 = affine_map<(d0, d1) -> (0)>
#map2 = affine_map<(d0, d1) -> (0, 0, 0)>
module attributes {stable_mosaic.version = 14 : i64} {
  func.func @seg_kernel(%arg0: i32, %arg1: i32, %arg2: memref<10000x128xf32, #tpu.memory_space<hbm>>, %arg3: memref<320000xi32, #tpu.memory_space<hbm>>, %arg4: memref<320000xi32, #tpu.memory_space<hbm>>, %arg5: memref<640x128xf32, #tpu.memory_space<hbm>>, %arg6: memref<2x10240x128xf32, #tpu.memory_space<hbm>>, %arg7: memref<80xi32, #tpu.memory_space<vmem>>, %arg8: memref<80xi32, #tpu.memory_space<vmem>>, %arg9: memref<80x128xf32, #tpu.memory_space<vmem>>, %arg10: memref<10240x128xf32, #tpu.memory_space<vmem_shared>>, %arg11: memref<!tpu.dma_semaphore, #tpu.memory_space<semaphore_mem>>) attributes {dimension_semantics = [#tpu.dimension_semantics<core_parallel>, #tpu.dimension_semantics<subcore_parallel>], iteration_bounds = array<i64: 2, 16>, scalar_prefetch = 0 : i64, scratch_operands = 5 : i64, tpu.core_type = #tpu.core_type<sc_vector_subcore>, window_params = [{transform_indices = #map}, {transform_indices = #map1}, {transform_indices = #map1}, {transform_indices = #map}, {transform_indices = #map2}]} {
    %mul3A = arith.constant 640 : i32
    %mul3A_0 = arith.muli %arg1, %mul3A : i32
    "tpu.region"() ({
      %run_scoped3A = tpu.sem_alloc : memref<!tpu.dma_semaphore, #tpu.memory_space<semaphore_mem>>
      %dma_start3A = arith.constant 0 : i32
      %dma_start3A_11 = tpu.memref_slice %arg10[%mul3A_0, %dma_start3A] : memref<10240x128xf32, #tpu.memory_space<vmem_shared>> -> memref<640x128xf32, #tpu.memory_space<vmem_shared>>
      tpu.enqueue_dma source(%arg5 : memref<640x128xf32, #tpu.memory_space<hbm>>) target(%dma_start3A_11 : memref<640x128xf32, #tpu.memory_space<vmem_shared>>) target_semaphore(%run_scoped3A : memref<!tpu.dma_semaphore, #tpu.memory_space<semaphore_mem>>)
      %dma_wait3A = arith.constant 0 : i32
      %dma_wait3A_12 = tpu.memref_slice %arg10[%mul3A_0, %dma_wait3A] : memref<10240x128xf32, #tpu.memory_space<vmem_shared>> -> memref<640x128xf32, #tpu.memory_space<vmem_shared>>
      tpu.wait_dma2 semaphore(%run_scoped3A : memref<!tpu.dma_semaphore, #tpu.memory_space<semaphore_mem>>) src(%arg5 : memref<640x128xf32, #tpu.memory_space<hbm>>) dst(%dma_wait3A_12 : memref<640x128xf32, #tpu.memory_space<vmem_shared>>)
      tpu.yield
    }) : () -> ()
    %barrier3A = arith.constant 0 : index
    tpu.barrier barrier_id(%barrier3A)
    %mul3A_1 = arith.constant 160000 : i32
    %mul3A_2 = arith.muli %arg0, %mul3A_1 : i32
    %mul3A_3 = arith.constant 10000 : i32
    %mul3A_4 = arith.muli %arg1, %mul3A_3 : i32
    %add3A = arith.addi %mul3A_2, %mul3A_4 : i32
    %scan3A = arith.constant 0 : i32
    %scan3A_5 = arith.constant 0 : i32
    %scan3A_6 = arith.constant 125 : i32
    %scan3A_7 = arith.addi %scan3A_5, %scan3A_6 : i32
    %scan3A_8 = arith.constant 1 : i32
    scf.for %scan3A_11 = %scan3A_5 to %scan3A_7 step %scan3A_8  : i32 {
      %mul3A_12 = arith.constant 80 : i32
      %mul3A_13 = arith.muli %scan3A_11, %mul3A_12 : i32
      %add3A_14 = arith.addi %add3A, %mul3A_13 : i32
      "tpu.region"() ({
        %run_scoped3A = tpu.sem_alloc : memref<!tpu.dma_semaphore, #tpu.memory_space<semaphore_mem>>
        %dma_start3A_19 = tpu.memref_slice %arg3[%add3A_14] : memref<320000xi32, #tpu.memory_space<hbm>> -> memref<80xi32, #tpu.memory_space<hbm>>
        %dma_start3A_20 = tpu.memref_slice %arg3[%add3A_14] : memref<320000xi32, #tpu.memory_space<hbm>> -> memref<80xi32, #tpu.memory_space<hbm>>
        tpu.enqueue_dma source(%dma_start3A_20 : memref<80xi32, #tpu.memory_space<hbm>>) target(%arg7 : memref<80xi32, #tpu.memory_space<vmem>>) target_semaphore(%run_scoped3A : memref<!tpu.dma_semaphore, #tpu.memory_space<semaphore_mem>>)
        %dma_wait3A_21 = tpu.memref_slice %arg3[%add3A_14] : memref<320000xi32, #tpu.memory_space<hbm>> -> memref<80xi32, #tpu.memory_space<hbm>>
        %dma_wait3A_22 = tpu.memref_slice %arg3[%add3A_14] : memref<320000xi32, #tpu.memory_space<hbm>> -> memref<80xi32, #tpu.memory_space<hbm>>
        tpu.wait_dma2 semaphore(%run_scoped3A : memref<!tpu.dma_semaphore, #tpu.memory_space<semaphore_mem>>) src(%dma_wait3A_22 : memref<80xi32, #tpu.memory_space<hbm>>) dst(%arg7 : memref<80xi32, #tpu.memory_space<vmem>>)
        tpu.yield
      }) : () -> ()
      "tpu.region"() ({
        %run_scoped3A = tpu.sem_alloc : memref<!tpu.dma_semaphore, #tpu.memory_space<semaphore_mem>>
        %dma_start3A_19 = tpu.memref_slice %arg4[%add3A_14] : memref<320000xi32, #tpu.memory_space<hbm>> -> memref<80xi32, #tpu.memory_space<hbm>>
        %dma_start3A_20 = tpu.memref_slice %arg4[%add3A_14] : memref<320000xi32, #tpu.memory_space<hbm>> -> memref<80xi32, #tpu.memory_space<hbm>>
        tpu.enqueue_dma source(%dma_start3A_20 : memref<80xi32, #tpu.memory_space<hbm>>) target(%arg8 : memref<80xi32, #tpu.memory_space<vmem>>) target_semaphore(%run_scoped3A : memref<!tpu.dma_semaphore, #tpu.memory_space<semaphore_mem>>)
        %dma_wait3A_21 = tpu.memref_slice %arg4[%add3A_14] : memref<320000xi32, #tpu.memory_space<hbm>> -> memref<80xi32, #tpu.memory_space<hbm>>
        %dma_wait3A_22 = tpu.memref_slice %arg4[%add3A_14] : memref<320000xi32, #tpu.memory_space<hbm>> -> memref<80xi32, #tpu.memory_space<hbm>>
        tpu.wait_dma2 semaphore(%run_scoped3A : memref<!tpu.dma_semaphore, #tpu.memory_space<semaphore_mem>>) src(%dma_wait3A_22 : memref<80xi32, #tpu.memory_space<hbm>>) dst(%arg8 : memref<80xi32, #tpu.memory_space<vmem>>)
        tpu.yield
      }) : () -> ()
      %dma_start3A = arith.constant 0 : i32
      %dma_start3A_15 = arith.constant 0 : i32
      %dma_start3A_16 = tpu.memref_slice %arg2[%dma_start3A, %dma_start3A_15] : memref<10000x128xf32, #tpu.memory_space<hbm>> -> memref<10000x128xf32, #tpu.memory_space<hbm>>
      tpu.enqueue_indirect_dma source(%dma_start3A_16 : memref<10000x128xf32, #tpu.memory_space<hbm>>) target(%arg9 : memref<80x128xf32, #tpu.memory_space<vmem>>) offsets(%arg7 : memref<80xi32, #tpu.memory_space<vmem>>) semaphore(%arg11 : memref<!tpu.dma_semaphore, #tpu.memory_space<semaphore_mem>>)
      %dma_wait3A = arith.constant 0 : i32
      %dma_wait3A_17 = arith.constant 0 : i32
      %dma_wait3A_18 = tpu.memref_slice %arg2[%dma_wait3A, %dma_wait3A_17] : memref<10000x128xf32, #tpu.memory_space<hbm>> -> memref<10000x128xf32, #tpu.memory_space<hbm>>
      tpu.wait_indirect_dma semaphore(%arg11 : memref<!tpu.dma_semaphore, #tpu.memory_space<semaphore_mem>>) src(%dma_wait3A_18 : memref<10000x128xf32, #tpu.memory_space<hbm>>) dst(%arg9 : memref<80x128xf32, #tpu.memory_space<vmem>>)
      "tpu.region"() ({
        %run_scoped3A = tpu.sem_alloc : memref<!tpu.dma_semaphore, #tpu.memory_space<semaphore_mem>>
        %dma_start3A_19 = arith.constant 0 : i32
        %dma_start3A_20 = arith.constant 0 : i32
        %dma_start3A_21 = tpu.memref_slice %arg10[%dma_start3A_19, %dma_start3A_20] : memref<10240x128xf32, #tpu.memory_space<vmem_shared>> -> memref<10240x128xf32, #tpu.memory_space<vmem_shared>>
        tpu.enqueue_indirect_dma source(%arg9 : memref<80x128xf32, #tpu.memory_space<vmem>>) target(%dma_start3A_21 : memref<10240x128xf32, #tpu.memory_space<vmem_shared>>) offsets(%arg8 : memref<80xi32, #tpu.memory_space<vmem>>) semaphore(%run_scoped3A : memref<!tpu.dma_semaphore, #tpu.memory_space<semaphore_mem>>) {add = true}
        %dma_wait3A_22 = arith.constant 0 : i32
        %dma_wait3A_23 = arith.constant 0 : i32
        %dma_wait3A_24 = tpu.memref_slice %arg10[%dma_wait3A_22, %dma_wait3A_23] : memref<10240x128xf32, #tpu.memory_space<vmem_shared>> -> memref<10240x128xf32, #tpu.memory_space<vmem_shared>>
        tpu.wait_indirect_dma semaphore(%run_scoped3A : memref<!tpu.dma_semaphore, #tpu.memory_space<semaphore_mem>>) src(%arg9 : memref<80x128xf32, #tpu.memory_space<vmem>>) dst(%dma_wait3A_24 : memref<10240x128xf32, #tpu.memory_space<vmem_shared>>)
        tpu.yield
      }) : () -> ()
    }
    %scan3A_9 = arith.constant 125 : i32
    %barrier3A_10 = arith.constant 0 : index
    tpu.barrier barrier_id(%barrier3A_10)
    "tpu.region"() ({
      %run_scoped3A = tpu.sem_alloc : memref<!tpu.dma_semaphore, #tpu.memory_space<semaphore_mem>>
      %dma_start3A = arith.constant 0 : i32
      %dma_start3A_11 = tpu.memref_slice %arg6[%arg0, %mul3A_0, %dma_start3A] : memref<2x10240x128xf32, #tpu.memory_space<hbm>> -> memref<1x640x128xf32, #tpu.memory_space<hbm>>
      %dma_start3A_12 = tpu.memref_squeeze %dma_start3A_11 : memref<1x640x128xf32, #tpu.memory_space<hbm>> -> memref<640x128xf32, #tpu.memory_space<hbm>>
      %dma_start3A_13 = arith.constant 0 : i32
      %dma_start3A_14 = tpu.memref_slice %arg10[%mul3A_0, %dma_start3A_13] : memref<10240x128xf32, #tpu.memory_space<vmem_shared>> -> memref<640x128xf32, #tpu.memory_space<vmem_shared>>
      tpu.enqueue_dma source(%dma_start3A_14 : memref<640x128xf32, #tpu.memory_space<vmem_shared>>) target(%dma_start3A_12 : memref<640x128xf32, #tpu.memory_space<hbm>>) target_semaphore(%run_scoped3A : memref<!tpu.dma_semaphore, #tpu.memory_space<semaphore_mem>>)
      %dma_wait3A = arith.constant 0 : i32
      %dma_wait3A_15 = tpu.memref_slice %arg6[%arg0, %mul3A_0, %dma_wait3A] : memref<2x10240x128xf32, #tpu.memory_space<hbm>> -> memref<1x640x128xf32, #tpu.memory_space<hbm>>
      %dma_wait3A_16 = tpu.memref_squeeze %dma_wait3A_15 : memref<1x640x128xf32, #tpu.memory_space<hbm>> -> memref<640x128xf32, #tpu.memory_space<hbm>>
      %dma_wait3A_17 = arith.constant 0 : i32
      %dma_wait3A_18 = tpu.memref_slice %arg10[%mul3A_0, %dma_wait3A_17] : memref<10240x128xf32, #tpu.memory_space<vmem_shared>> -> memref<640x128xf32, #tpu.memory_space<vmem_shared>>
      tpu.wait_dma2 semaphore(%run_scoped3A : memref<!tpu.dma_semaphore, #tpu.memory_space<semaphore_mem>>) src(%dma_wait3A_18 : memref<640x128xf32, #tpu.memory_space<vmem_shared>>) dst(%dma_wait3A_16 : memref<640x128xf32, #tpu.memory_space<hbm>>)
      tpu.yield
    }) : () -> ()
    return
  }
}

module attributes {stable_mosaic.version = 14 : i64} {
  func.func @_mlp_body(%arg0: i32, %arg1: memref<1000x128xf32, #tpu.memory_space<vmem>>, %arg2: memref<2x1000x128xf32, #tpu.memory_space<vmem>>, %arg3: memref<128x128xf32, #tpu.memory_space<vmem>>, %arg4: memref<1x128xf32, #tpu.memory_space<vmem>>, %arg5: memref<128x128xf32, #tpu.memory_space<vmem>>, %arg6: memref<1x128xf32, #tpu.memory_space<vmem>>, %arg7: memref<1000x128xf32, #tpu.memory_space<vmem>>) attributes {dimension_semantics = [#tpu.dimension_semantics<arbitrary>], iteration_bounds = array<i64: 10>, scalar_prefetch = 0 : i64, scratch_operands = 0 : i64, tpu.core_type = #tpu.core_type<tc>, window_params = [{transform_indices = @transform_0, window_bounds = array<i64: 1000, 128>}, {transform_indices = @transform_1, window_bounds = array<i64: 2, 1000, 128>}, {pipeline_mode = #tpu.pipeline_mode<synchronous>, transform_indices = @transform_2, window_bounds = array<i64: 128, 128>}, {pipeline_mode = #tpu.pipeline_mode<synchronous>, transform_indices = @transform_3, window_bounds = array<i64: 1, 128>}, {pipeline_mode = #tpu.pipeline_mode<synchronous>, transform_indices = @transform_4, window_bounds = array<i64: 128, 128>}, {pipeline_mode = #tpu.pipeline_mode<synchronous>, transform_indices = @transform_5, window_bounds = array<i64: 1, 128>}, {transform_indices = @transform_6, window_bounds = array<i64: 1000, 128>}]} {
    %get3A = arith.constant 0 : index
    %get3A_0 = arith.constant 0 : index
    %get3A_1 = vector.load %arg1[%get3A, %get3A_0] : memref<1000x128xf32, #tpu.memory_space<vmem>>, vector<1000x128xf32>
    %get3A_2 = arith.constant 0 : index
    %get3A_3 = arith.constant 0 : index
    %get3A_4 = arith.constant 0 : index
    %get3A_5 = vector.load %arg2[%get3A_2, %get3A_3, %get3A_4] : memref<2x1000x128xf32, #tpu.memory_space<vmem>>, vector<1x1000x128xf32>
    %get3A_6 = vector.shape_cast %get3A_5 : vector<1x1000x128xf32> to vector<1000x128xf32>
    %add3A = arith.addf %get3A_1, %get3A_6 : vector<1000x128xf32>
    %get3A_7 = arith.constant 1 : index
    %get3A_8 = arith.constant 0 : index
    %get3A_9 = arith.constant 0 : index
    %get3A_10 = vector.load %arg2[%get3A_7, %get3A_8, %get3A_9] : memref<2x1000x128xf32, #tpu.memory_space<vmem>>, vector<1x1000x128xf32>
    %get3A_11 = vector.shape_cast %get3A_10 : vector<1x1000x128xf32> to vector<1000x128xf32>
    %add3A_12 = arith.addf %add3A, %get3A_11 : vector<1000x128xf32>
    %get3A_13 = arith.constant 0 : index
    %get3A_14 = arith.constant 0 : index
    %get3A_15 = vector.load %arg3[%get3A_13, %get3A_14] : memref<128x128xf32, #tpu.memory_space<vmem>>, vector<128x128xf32>
    %dot_general3A = arith.constant dense<0.000000e+00> : vector<1000x128xf32>
    %dot_general3A_16 = tpu.matmul %add3A_12, %get3A_15, %dot_general3A {dimension_numbers = #tpu.dot_dimension_numbers<[1], [0], [0], [1], [0, 0, 1, 1], [], []>, transpose_lhs_hint = false} : vector<1000x128xf32>, vector<128x128xf32>, vector<1000x128xf32> -> vector<1000x128xf32>
    %get3A_17 = arith.constant 0 : index
    %get3A_18 = arith.constant 0 : index
    %get3A_19 = vector.load %arg4[%get3A_17, %get3A_18] : memref<1x128xf32, #tpu.memory_space<vmem>>, vector<1x128xf32>
    %add3A_20 = vector.broadcast %get3A_19 : vector<1x128xf32> to vector<1000x128xf32>
    %add3A_21 = arith.addf %dot_general3A_16, %add3A_20 : vector<1000x128xf32>
    %max3A = arith.constant 0.000000e+00 : f32
    %max3A_22 = vector.broadcast %max3A : f32 to vector<1000x128xf32>
    %max3A_23 = arith.maximumf %add3A_21, %max3A_22 : vector<1000x128xf32>
    %get3A_24 = arith.constant 0 : index
    %get3A_25 = arith.constant 0 : index
    %get3A_26 = vector.load %arg5[%get3A_24, %get3A_25] : memref<128x128xf32, #tpu.memory_space<vmem>>, vector<128x128xf32>
    %dot_general3A_27 = arith.constant dense<0.000000e+00> : vector<1000x128xf32>
    %dot_general3A_28 = tpu.matmul %max3A_23, %get3A_26, %dot_general3A_27 {dimension_numbers = #tpu.dot_dimension_numbers<[1], [0], [0], [1], [0, 0, 1, 1], [], []>, transpose_lhs_hint = false} : vector<1000x128xf32>, vector<128x128xf32>, vector<1000x128xf32> -> vector<1000x128xf32>
    %get3A_29 = arith.constant 0 : index
    %get3A_30 = arith.constant 0 : index
    %get3A_31 = vector.load %arg6[%get3A_29, %get3A_30] : memref<1x128xf32, #tpu.memory_space<vmem>>, vector<1x128xf32>
    %add3A_32 = vector.broadcast %get3A_31 : vector<1x128xf32> to vector<1000x128xf32>
    %add3A_33 = arith.addf %dot_general3A_28, %add3A_32 : vector<1000x128xf32>
    %swap3A = arith.constant 0 : index
    %swap3A_34 = arith.constant 0 : index
    %swap3A_35 = vector.load %arg7[%swap3A, %swap3A_34] : memref<1000x128xf32, #tpu.memory_space<vmem>>, vector<1000x128xf32>
    tpu.vector_store %arg7[%swap3A, %swap3A_34], %add3A_33 {strides = array<i32>} : memref<1000x128xf32, #tpu.memory_space<vmem>>, vector<1000x128xf32>,
    return
  }
  func.func @transform_0(%arg0: i32) -> (i32, i32) {
    %c0_i32 = arith.constant 0 : i32
    %c0_i32_0 = arith.constant 0 : i32
    return %arg0, %c0_i32 : i32, i32
  }
  func.func @transform_1(%arg0: i32) -> (i32, i32, i32) {
    %c0_i32 = arith.constant 0 : i32
    %c0_i32_0 = arith.constant 0 : i32
    %c0_i32_1 = arith.constant 0 : i32
    return %c0_i32, %arg0, %c0_i32_0 : i32, i32, i32
  }
  func.func @transform_2(%arg0: i32) -> (i32, i32) {
    %c0_i32 = arith.constant 0 : i32
    %c0_i32_0 = arith.constant 0 : i32
    %c0_i32_1 = arith.constant 0 : i32
    return %c0_i32, %c0_i32_0 : i32, i32
  }
  func.func @transform_3(%arg0: i32) -> (i32, i32) {
    %c0_i32 = arith.constant 0 : i32
    %c0_i32_0 = arith.constant 0 : i32
    %c0_i32_1 = arith.constant 0 : i32
    return %c0_i32, %c0_i32_0 : i32, i32
  }
  func.func @transform_4(%arg0: i32) -> (i32, i32) {
    %c0_i32 = arith.constant 0 : i32
    %c0_i32_0 = arith.constant 0 : i32
    %c0_i32_1 = arith.constant 0 : i32
    return %c0_i32, %c0_i32_0 : i32, i32
  }
  func.func @transform_5(%arg0: i32) -> (i32, i32) {
    %c0_i32 = arith.constant 0 : i32
    %c0_i32_0 = arith.constant 0 : i32
    %c0_i32_1 = arith.constant 0 : i32
    return %c0_i32, %c0_i32_0 : i32, i32
  }
  func.func @transform_6(%arg0: i32) -> (i32, i32) {
    %c0_i32 = arith.constant 0 : i32
    %c0_i32_0 = arith.constant 0 : i32
    return %arg0, %c0_i32 : i32, i32
  }
}

module attributes {stable_mosaic.version = 14 : i64} {
  func.func @_pool_body(%arg0: i32, %arg1: memref<1x1x1000xi32, #tpu.memory_space<vmem>>, %arg2: memref<1000x128xf32, #tpu.memory_space<vmem>>, %arg3: memref<128x10xf32, #tpu.memory_space<vmem>>, %arg4: memref<1x10xf32, #tpu.memory_space<vmem>>, %arg5: memref<128x10xf32, #tpu.memory_space<vmem>>, %arg6: memref<128x128xf32, #tpu.memory_space<vmem>>, %arg7: memref<128x1xf32, #tpu.memory_space<vmem>>) attributes {dimension_semantics = [#tpu.dimension_semantics<arbitrary>], iteration_bounds = array<i64: 10>, scalar_prefetch = 0 : i64, scratch_operands = 2 : i64, tpu.core_type = #tpu.core_type<tc>, window_params = [{transform_indices = @transform_0, window_bounds = array<i64: 1, 1, 1000>}, {transform_indices = @transform_1, window_bounds = array<i64: 1000, 128>}, {pipeline_mode = #tpu.pipeline_mode<synchronous>, transform_indices = @transform_2, window_bounds = array<i64: 128, 10>}, {pipeline_mode = #tpu.pipeline_mode<synchronous>, transform_indices = @transform_3, window_bounds = array<i64: 1, 10>}, {pipeline_mode = #tpu.pipeline_mode<synchronous>, transform_indices = @transform_4, window_bounds = array<i64: 128, 10>}]} {
    %eq3A = arith.constant 0 : i32
    %eq3A_0 = arith.cmpi eq, %arg0, %eq3A : i32
    %convert_element_type3A = arith.extui %eq3A_0 : i1 to i32
    %cond3A = arith.constant 0 : i32
    %cond3A_1 = arith.cmpi ne, %convert_element_type3A, %cond3A : i32
    scf.if %cond3A_1 {
      %broadcast_in_dim3A_32 = arith.constant 0.000000e+00 : f32
      %broadcast_in_dim3A_33 = vector.broadcast %broadcast_in_dim3A_32 : f32 to vector<128x128xf32>
      %swap3A_34 = arith.constant 0 : index
      %swap3A_35 = arith.constant 0 : index
      %swap3A_36 = vector.load %arg6[%swap3A_34, %swap3A_35] : memref<128x128xf32, #tpu.memory_space<vmem>>, vector<128x128xf32>
      tpu.vector_store %arg6[%swap3A_34, %swap3A_35], %broadcast_in_dim3A_33 {strides = array<i32>} : memref<128x128xf32, #tpu.memory_space<vmem>>, vector<128x128xf32>,
      %broadcast_in_dim3A_37 = arith.constant 0.000000e+00 : f32
      %broadcast_in_dim3A_38 = vector.broadcast %broadcast_in_dim3A_37 : f32 to vector<128x1xf32>
      %swap3A_39 = arith.constant 0 : index
      %swap3A_40 = arith.constant 0 : index
      %swap3A_41 = vector.load %arg7[%swap3A_39, %swap3A_40] : memref<128x1xf32, #tpu.memory_space<vmem>>, vector<128x1xf32>
      tpu.vector_store %arg7[%swap3A_39, %swap3A_40], %broadcast_in_dim3A_38 {strides = array<i32>} : memref<128x1xf32, #tpu.memory_space<vmem>>, vector<128x1xf32>,
    } else {
    }
    %get3A = arith.constant 0 : index
    %get3A_2 = arith.constant 0 : index
    %get3A_3 = arith.constant 0 : index
    %get3A_4 = vector.load %arg1[%get3A, %get3A_2, %get3A_3] : memref<1x1x1000xi32, #tpu.memory_space<vmem>>, vector<1x1x1000xi32>
    %reshape3A = vector.shape_cast %get3A_4 : vector<1x1x1000xi32> to vector<1x1000xi32>
    %broadcast_in_dim3A = vector.shape_cast %reshape3A : vector<1x1000xi32> to vector<1x1000xi32>
    %broadcast_in_dim3A_5 = vector.broadcast %broadcast_in_dim3A : vector<1x1000xi32> to vector<128x1000xi32>
    %iota3A = tpu.iota {dimensions = array<i32: 0>} : vector<128x1000xi32>
    %eq3A_6 = arith.cmpi eq, %broadcast_in_dim3A_5, %iota3A : vector<128x1000xi32>
    %convert_element_type3A_7 = arith.extui %eq3A_6 : vector<128x1000xi1> to vector<128x1000xi32>
    %convert_element_type3A_8 = arith.sitofp %convert_element_type3A_7 : vector<128x1000xi32> to vector<128x1000xf32>
    %get3A_9 = arith.constant 0 : index
    %get3A_10 = arith.constant 0 : index
    %get3A_11 = vector.load %arg6[%get3A_9, %get3A_10] : memref<128x128xf32, #tpu.memory_space<vmem>>, vector<128x128xf32>
    %get3A_12 = arith.constant 0 : index
    %get3A_13 = arith.constant 0 : index
    %get3A_14 = vector.load %arg2[%get3A_12, %get3A_13] : memref<1000x128xf32, #tpu.memory_space<vmem>>, vector<1000x128xf32>
    %dot_general3A = arith.constant dense<0.000000e+00> : vector<128x128xf32>
    %dot_general3A_15 = tpu.matmul %convert_element_type3A_8, %get3A_14, %dot_general3A {dimension_numbers = #tpu.dot_dimension_numbers<[1], [0], [0], [1], [0, 0, 1, 1], [], []>, transpose_lhs_hint = false} : vector<128x1000xf32>, vector<1000x128xf32>, vector<128x128xf32> -> vector<128x128xf32>
    %add3A = arith.addf %get3A_11, %dot_general3A_15 : vector<128x128xf32>
    %swap3A = arith.constant 0 : index
    %swap3A_16 = arith.constant 0 : index
    %swap3A_17 = vector.load %arg6[%swap3A, %swap3A_16] : memref<128x128xf32, #tpu.memory_space<vmem>>, vector<128x128xf32>
    tpu.vector_store %arg6[%swap3A, %swap3A_16], %add3A {strides = array<i32>} : memref<128x128xf32, #tpu.memory_space<vmem>>, vector<128x128xf32>,
    %get3A_18 = arith.constant 0 : index
    %get3A_19 = arith.constant 0 : index
    %get3A_20 = vector.load %arg7[%get3A_18, %get3A_19] : memref<128x1xf32, #tpu.memory_space<vmem>>, vector<128x1xf32>
    %reduce_sum3A = arith.constant dense<0.000000e+00> : vector<128xf32>
    %reduce_sum3A_21 = vector.multi_reduction <add>, %convert_element_type3A_8, %reduce_sum3A [1] : vector<128x1000xf32> to vector<128xf32>
    %broadcast_in_dim3A_22 = vector.shape_cast %reduce_sum3A_21 : vector<128xf32> to vector<128x1xf32>
    %add3A_23 = arith.addf %get3A_20, %broadcast_in_dim3A_22 : vector<128x1xf32>
    %swap3A_24 = arith.constant 0 : index
    %swap3A_25 = arith.constant 0 : index
    %swap3A_26 = vector.load %arg7[%swap3A_24, %swap3A_25] : memref<128x1xf32, #tpu.memory_space<vmem>>, vector<128x1xf32>
    tpu.vector_store %arg7[%swap3A_24, %swap3A_25], %add3A_23 {strides = array<i32>} : memref<128x1xf32, #tpu.memory_space<vmem>>, vector<128x1xf32>,
    %eq3A_27 = arith.constant 9 : i32
    %eq3A_28 = arith.cmpi eq, %arg0, %eq3A_27 : i32
    %convert_element_type3A_29 = arith.extui %eq3A_28 : i1 to i32
    %cond3A_30 = arith.constant 0 : i32
    %cond3A_31 = arith.cmpi ne, %convert_element_type3A_29, %cond3A_30 : i32
    scf.if %cond3A_31 {
      %get3A_32 = arith.constant 0 : index
      %get3A_33 = arith.constant 0 : index
      %get3A_34 = vector.load %arg6[%get3A_32, %get3A_33] : memref<128x128xf32, #tpu.memory_space<vmem>>, vector<128x128xf32>
      %get3A_35 = arith.constant 0 : index
      %get3A_36 = arith.constant 0 : index
      %get3A_37 = vector.load %arg7[%get3A_35, %get3A_36] : memref<128x1xf32, #tpu.memory_space<vmem>>, vector<128x1xf32>
      %max3A = arith.constant 1.000000e+00 : f32
      %max3A_38 = vector.broadcast %max3A : f32 to vector<128x1xf32>
      %max3A_39 = arith.maximumf %get3A_37, %max3A_38 : vector<128x1xf32>
      %div3A = vector.broadcast %max3A_39 : vector<128x1xf32> to vector<128x128xf32>
      %div3A_40 = arith.divf %get3A_34, %div3A : vector<128x128xf32>
      %get3A_41 = arith.constant 0 : index
      %get3A_42 = arith.constant 0 : index
      %get3A_43 = vector.load %arg3[%get3A_41, %get3A_42] : memref<128x10xf32, #tpu.memory_space<vmem>>, vector<128x10xf32>
      %dot_general3A_44 = arith.constant dense<0.000000e+00> : vector<128x10xf32>
      %dot_general3A_45 = tpu.matmul %div3A_40, %get3A_43, %dot_general3A_44 {dimension_numbers = #tpu.dot_dimension_numbers<[1], [0], [0], [1], [0, 0, 1, 1], [], []>, transpose_lhs_hint = false} : vector<128x128xf32>, vector<128x10xf32>, vector<128x10xf32> -> vector<128x10xf32>
      %get3A_46 = arith.constant 0 : index
      %get3A_47 = arith.constant 0 : index
      %get3A_48 = vector.load %arg4[%get3A_46, %get3A_47] : memref<1x10xf32, #tpu.memory_space<vmem>>, vector<1x10xf32>
      %add3A_49 = vector.broadcast %get3A_48 : vector<1x10xf32> to vector<128x10xf32>
      %add3A_50 = arith.addf %dot_general3A_45, %add3A_49 : vector<128x10xf32>
      %swap3A_51 = arith.constant 0 : index
      %swap3A_52 = arith.constant 0 : index
      %swap3A_53 = vector.load %arg5[%swap3A_51, %swap3A_52] : memref<128x10xf32, #tpu.memory_space<vmem>>, vector<128x10xf32>
      tpu.vector_store %arg5[%swap3A_51, %swap3A_52], %add3A_50 {strides = array<i32>} : memref<128x10xf32, #tpu.memory_space<vmem>>, vector<128x10xf32>,
    } else {
    }
    return
  }
  func.func @transform_0(%arg0: i32) -> (i32, i32, i32) {
    %c0_i32 = arith.constant 0 : i32
    %c0_i32_0 = arith.constant 0 : i32
    %c0_i32_1 = arith.constant 0 : i32
    return %arg0, %c0_i32, %c0_i32_0 : i32, i32, i32
  }
  func.func @transform_1(%arg0: i32) -> (i32, i32) {
    %c0_i32 = arith.constant 0 : i32
    %c0_i32_0 = arith.constant 0 : i32
    return %arg0, %c0_i32 : i32, i32
  }
  func.func @transform_2(%arg0: i32) -> (i32, i32) {
    %c0_i32 = arith.constant 0 : i32
    %c0_i32_0 = arith.constant 0 : i32
    %c0_i32_1 = arith.constant 0 : i32
    return %c0_i32, %c0_i32_0 : i32, i32
  }
  func.func @transform_3(%arg0: i32) -> (i32, i32) {
    %c0_i32 = arith.constant 0 : i32
    %c0_i32_0 = arith.constant 0 : i32
    %c0_i32_1 = arith.constant 0 : i32
    return %c0_i32, %c0_i32_0 : i32, i32
  }
  func.func @transform_4(%arg0: i32) -> (i32, i32) {
    %c0_i32 = arith.constant 0 : i32
    %c0_i32_0 = arith.constant 0 : i32
    %c0_i32_1 = arith.constant 0 : i32
    return %c0_i32, %c0_i32_0 : i32, i32
  }
}

</mosaic_0001>

<sc_bundles>
// kernel: kernel.12.cloned.1.call-start
scs
__scs_entry_jumppad:
0x0: {  	(pc) =	sbr.rel $0x88, $3  }
0x1: {  	(tag) =	ssettag $0x0;
	lr =	simm.s32 $0x1  }
0x2: {  	[smem:$0x3F90] =	sst lr;
	_ =	strace $0xD0000000  }
0x3: {  	_ = 	snop  }
0x4: {  	_ = 	snop  }
0x5: {  	_ = 	snop  }
0x6: {  	_ = 	snop  }
0x7: {  	_ = 	snop  }
__scs_overlays_trampoline_lowered:
0x8: {  	[smem:$0x3F9F] =	sst s0  }
0x9: {  	[smem:$0x3FA0] =	sst s1  }
0xa: {  	[smem:$0x3FA1] =	sst s2  }
0xb: {  	[smem:$0x3FA2] =	sst s3  }
0xc: {  	[smem:$0x3FA3] =	sst s4  }
0xd: {  	[smem:$0x3FA4] =	sst s5  }
0xe: {  	[smem:$0x3FA5] =	sst s6  }
0xf: {  	[smem:$0x3FA6] =	sst s7  }
0x10: {  	[smem:$0x3FA7] =	sst s8  }
0x11: {  	[smem:$0x3FA8] =	sst s9;
	s0 =	simm.s32 @!p0 $0x0  }
0x12: {  	s1 =	sld [smem:$0x3F8E];
	s0 =	simm.s32 @p0 $0x1  }
0x13: {  	[smem:$0x3FA9] =	sst s0;
	s0 =	simm.s32 @!p1 $0x0  }
0x14: {  	s2 =	sld [smem:$0x3F8D];
	s0 =	simm.s32 @p1 $0x1  }
0x15: {  	[smem:$0x3FAA] =	sst s0;
	s0 =	simm.s32 @!p2 $0x0  }
0x16: {  	s3 =	sld [smem:$0x3FDB];
	s0 =	simm.s32 @p2 $0x1  }
0x17: {  	s4 =	simm.s32 $0x1BF5;
	[smem:$0x3FAC] =	sst s0  }
0x18: {  	s0 =	sld [smem:$0x3F8F];
	_ =	swait.ge [sflag:s4], $0x0  }
0x19: {  	s7 =	sld [smem:$0x3F90]  }
0x1a: {  	s8 =	sadd.s32 $0xFFFFE003, lr  }
0x1b: {  	s9 =	sadd.s32 $0xFFFFFEF7, lr;
	s5 =	simm.s32 $0xFFFFFFFF;
	p2 =	slt.u32 s8, $0xFFFFF086  }
0x1c: {  	p1 =	slt.u32 s9, $0xF7A;
	s5 =	simm.s32 @!p2 $0x0  }
0x1d: {  	s5 =	simm.s32 @p1 $0x1;
	p0 =	seq.s32 s7, s2  }
0x1e: {  	s7 =	smul.u32 @!p0 $0xF7A, s2;
	p2 =	seq.s32 @!p0 s5, $0x0  }
0x1f: {  	s9 =	smul.u32 $0xF7A, s1;
	s8 =	simm.s32 @!p0 $0x1BF5;
	p2 =	por !p2, p0  }
0x20: {  	[sflag:s8] =	ssyncset.s32 @!p0 $0xFFFFF086;
	s6 =	sadd.s32 @!p0 s3, s7;
	s7 =	simm.s32 @!p0 $0x108  }
0x21: {  	s3 =	sadd.s32 s3, s9;
	s6 =	sadd.s32 @!p0 $0x88, s6;
	s7 =	simm.s32 @p2 $0x1082  }
0x22: {  	[simem:s7], [sflag:s8] =	dma.local @!p0 [hbm:s6], $0xF7A  }
0x23: {  	s9 =	sor.u32 $0xD0000000, s2;
	s6 =	simm.s32 $0x108;
	_ =	swait.ge @!p0 [sflag:s8], $0x0  }
0x24: {  	s3 =	sadd.s32 $0x88, s3;
	s6 =	simm.s32 @!p1 $0x1082;
	[sflag:s4] =	ssyncset.s32 $0xFFFFF086  }
0x25: {  	[simem:s6], [sflag:s4] =	dma.local [hbm:s3], $0xF7A  }
0x26: {  	[smem:$0x3F90] =	sst s1;
	(tag) =	ssettag s2;
	_ =	strace s9  }
0x27: {  	s1 =	sld [smem:$0x3FA0]  }
0x28: {  	s2 =	sld [smem:$0x3FA1]  }
0x29: {  	s4 =	sld [smem:$0x3FA3]  }
0x2a: {  	p0 =	seq.s32 s5, $0x0;
	s5 =	sld [smem:$0x3FA4]  }
0x2b: {  	s6 =	sld [smem:$0x3FA5]  }
0x2c: {  	s7 =	sld [smem:$0x3FA6]  }
0x2d: {  	s3 =	simm.s32 $0x108;
	s8 =	sld [smem:$0x3FA7]  }
0x2e: {  	s3 =	simm.s32 @!p0 $0x1082;
	s9 =	sld [smem:$0x3FA8]  }
0x2f: {  	lr =	sadd.s32 s0, s3;
	s0 =	sld [smem:$0x3F9F]  }
0x30: {  	s3 =	sld [smem:$0x3FA2]  }
0x31: {  	[smem:$0x3FAB] =	sst s10  }
0x32: {  	s10 =	sld [smem:$0x3FA9];
	_ =	sdelay $0x3  }
0x33: {  	p0 =	seq.s32 s10, $0x1;
	s10 =	sld [smem:$0x3FAB];
	_ =	sdelay $0x3  }
0x34: {  	[smem:$0x3FAB] =	sst s10  }
0x35: {  	s10 =	sld [smem:$0x3FAA];
	_ =	sdelay $0x3  }
0x36: {  	p1 =	seq.s32 s10, $0x1;
	s10 =	sld [smem:$0x3FAB];
	_ =	sdelay $0x3  }
0x37: {  	[smem:$0x3FAB] =	sst s10  }
0x38: {  	s10 =	sld [smem:$0x3FAC]  }
0x39: {  	_ = 	snop;
	(pc) =	sbr.ind lr, $3  }
0x3a: {  	_ = 	snop  }
0x3b: {  	_ = 	snop  }
0x3c: {  	p2 =	seq.s32 s10, $0x1;
	s10 =	sld [smem:$0x3FAB]  }
0x3d: {  	_ =	shalt  }
0x3e: {  	_ =	shalt  }
0x3f: {  	_ =	shalt  }
0x40: {  	_ =	shalt  }
0x41: {  	_ =	shalt  }
0x42: {  	_ =	shalt  }
0x43: {  	_ =	shalt  }
0x44: {  	_ =	shalt  }
0x45: {  	_ =	shalt  }
0x46: {  	_ =	shalt  }
0x47: {  	_ =	shalt  }
0x48: {  	_ =	shalt  }
0x49: {  	_ =	shalt  }
0x4a: {  	_ =	shalt  }
0x4b: {  	_ =	shalt  }
0x4c: {  	_ =	shalt  }
0x4d: {  	_ =	shalt  }
0x4e: {  	_ =	shalt  }
0x4f: {  	_ =	shalt  }
0x50: {  	_ =	shalt  }
0x51: {  	_ =	shalt  }
0x52: {  	_ =	shalt  }
0x53: {  	_ =	shalt  }
0x54: {  	_ =	shalt  }
0x55: {  	_ =	shalt  }
0x56: {  	_ =	shalt  }
0x57: {  	_ =	shalt  }
0x58: {  	_ =	shalt  }
0x59: {  	_ =	shalt  }
0x5a: {  	_ =	shalt  }
0x5b: {  	_ =	shalt  }
0x5c: {  	_ =	shalt  }
0x5d: {  	_ =	shalt  }
0x5e: {  	_ =	shalt  }
0x5f: {  	_ =	shalt  }
0x60: {  	_ =	shalt  }
0x61: {  	_ =	shalt  }
0x62: {  	_ =	shalt  }
0x63: {  	_ =	shalt  }
0x64: {  	_ =	shalt  }
0x65: {  	_ =	shalt  }
0x66: {  	_ =	shalt  }
0x67: {  	_ =	shalt  }
0x68: {  	_ =	shalt  }
0x69: {  	_ =	shalt  }
0x6a: {  	_ =	shalt  }
0x6b: {  	_ =	shalt  }
0x6c: {  	_ =	shalt  }
0x6d: {  	_ =	shalt  }
0x6e: {  	_ =	shalt  }
0x6f: {  	_ =	shalt  }
0x70: {  	_ =	shalt  }
0x71: {  	_ =	shalt  }
0x72: {  	_ =	shalt  }
0x73: {  	_ =	shalt  }
0x74: {  	_ =	shalt  }
0x75: {  	_ =	shalt  }
0x76: {  	_ =	shalt  }
0x77: {  	_ =	shalt  }
0x78: {  	_ =	shalt  }
0x79: {  	_ =	shalt  }
0x7a: {  	_ =	shalt  }
0x7b: {  	_ =	shalt  }
0x7c: {  	_ =	shalt  }
0x7d: {  	_ =	shalt  }
0x7e: {  	_ =	shalt  }
0x7f: {  	_ =	shalt  }
0x80: {  	_ =	shalt  }
0x81: {  	_ =	shalt  }
0x82: {  	_ =	shalt  }
0x83: {  	_ =	shalt  }
0x84: {  	_ =	shalt  }
0x85: {  	_ =	shalt  }
0x86: {  	_ =	shalt  }
0x87: {  	_ =	shalt  }
.Lfunc_end0:
.L_simem_size_0:
called_computation.1_lowered:
.L_overlay_start_0:
0x88: {  	s2 =	sld [smem:$0x3FD9]  }
0x89: {  	s3 =	sld [smem:$0x3FFE];
	_ =	sdelay $0x1  }
0x8a: {  	s1 =	srdreg.scid  }
0x8b: {  	s0 =	sand.u32 $0x1, s1  }
0x8c: {  	s16 =	sshll.u32 s0, $0xA;
	s2 =	sadd.s32 s3, s2  }
0x8d: {  	s2 =	sadd.s32 s2, s16  }
0x8e: {  	[smem:$0x3FB7] =	sst s2  }
0x8f: {  	_ = 	snop  }
0x90: {  	(tm) =	ssettm $0x1  }
0x91: {  	s17 =	sld [smem:$0x3FFB];
	_ =	sdelay $0x3  }
0x92: {  	_ =	strace s17  }
0x93: {  	s2 =	sld [smem:$0x3FFC];
	_ =	sdelay $0x3  }
0x94: {  	_ =	strace s2  }
0x95: {  	s2 =	sld [smem:$0x3FFD];
	_ =	sdelay $0x3  }
0x96: {  	_ =	strace s2  }
0x97: {  	_ =	strace $0x8FFFFFFF  }
0x98: {  	s18 =	sld [smem:$0x3FDB];
	_ =	sdelay $0x1  }
0x99: {  	s19 =	simm.s32 $_scs_section_size  }
0x9a: {  	s4 =	simm.s32 $_size__tile_overlayer_lowered;
	s5 =	simm.s32 $_tile_overlayer_lowered  }
0x9b: {  	s22 =	simm.s32 $0x1BFF;
	s21 =	sshll.u32 s5, $0x1;
	s2 =	sadd.s32 s19, s18  }
0x9c: {  	s6 =	simm.s32 $0x0;
	s20 =	sshll.u32 s4, $0x1;
	s4 =	sadd.s32 s21, s2  }
0x9d: {  	[timem:s6], [sflag:s22] =	dma.local [hbm:s4], s20  }
0x9e: {  	_ =	swait.ge [sflag:s22], s20  }
0x9f: {  	s3 =	ssub.s32 $0x0, s20;
	[sflag:s22] =	ssyncset.done $0x0  }
0xa0: {  	[sflag:s22] =	ssyncadd.s32 s3;
	_ =	sdelay $0x1  }
0xa1: {  	s23 =	simm.s32 $0x1B8B  }
0xa2: {  	_ =	swait.ge [sflag:s23], $0x1  }
0xa3: {  	[sflag:s23] =	ssyncset.done $0x0  }
0xa4: {  	s25 =	simm.s32 $0x1B8E;
	s24 =	sld [smem:$0x3FFE];
	[sflag:s23] =	ssyncadd.s32 $0xFFFFFFFF  }
0xa5: {  	s26 =	simm.s32 $execute0_lowered;
	[smem:$0x3FD2] =	sst s25  }
0xa6: {  	s4 =	sshll.u32 s26, $0x1;
	_ =	strace $0x80000049;
	[dreg:$0x1] =	wrdreg $0xFFFFFFFF  }
0xa7: {  	s28 =	simm.s32 $_size_execute0_lowered;
	s2 =	sadd.s32 s2, s4;
	[dreg:$0x0] =	wrdreg $0x0  }
0xa8: {  	s4 =	sshll.u32 s28, $0x1;
	[dreg:$0x2] =	wrdreg s2  }
0xa9: {  	[dreg:$0x3] =	wrdreg s4  }
0xaa: {  	[dreg:$0x4] =	wrdreg $0xC0  }
0xab: {  	_ =	task [dreg:s6], $0x5FFFF  }
0xac: {  	[dreg:$0x1] =	wrdreg $0xFFFFFFFF  }
0xad: {  	[dreg:$0x0] =	wrdreg $0x60  }
0xae: {  	[dreg:$0x2] =	wrdreg s24  }
0xaf: {  	[dreg:$0x3] =	wrdreg $0x29000  }
0xb0: {  	[dreg:$0x4] =	wrdreg $0x9  }
0xb1: {  	_ =	task.clear_ibuf [dreg:s6], $0x5FFFF;
	_ =	strace $0x90000049  }
0xb2: {  	s29 =	simm.s32 $0x9;
	_ =	strace $0x8000004B  }
0xb3: {  	_ =	swait.ge [sflag:s29], $0x1  }
0xb4: {  	[sflag:s29] =	ssyncadd.s32 $0xFFFFFFFF  }
0xb5: {  	_ =	strace $0x9000004B  }
0xb6: {  	_ =	sfence  }
0xb7: {  	s30 =	sld [smem:$0x0];
	_ =	sdelay $0x2  }
0xb8: {  	s31 =	sshll.u32 s1, $0xD;
	s1 =	sshrl.u32 s1, $0x2  }
0xb9: {  	s3 =	sand.u32 $0x4000, s31;
	s1 =	sadd.s32 s1, s30  }
0xba: {  	s0 =	sor.u32 s3, s0;
	s1 =	sshll.u32 s1, $0x11  }
0xbb: {  	s0 =	sor.u32 s1, s0  }
0xbc: {  	s0 =	sadd.s32 $0x8F2B, s0  }
0xbd: {  	[sflag:s0] =	ssyncadd.remote.s32 $0x1  }
0xbe: {  	_ =	sfence.sel $0xFFFF  }
0xbf: {  	[dreg:$0x0] =	wrdreg $0xFFFFFFFF;
	(pc) =	sbr.abs _section_cstart, $3  }
0xc0: {  	[dreg:$0x1] =	wrdreg $0xFFFFFFFF  }
0xc1: {  	_ =	task.clear_ibuf [dreg:s6], $0x2FFFF;
	_ =	strace $0x9FFFFFFF  }
0xc2: {  	(tm) =	ssettm $0x7FFFFFFF  }
0xc3: {  	_ =	shalt  }
tec
execute0_lowered:
.L_overlay_start_1:
0x0: {  	(tag) =	ssettag $0x1  }
0x1: {  	s6 =	rddreg [dreg:$0x0]  }
0x2: {  	s2 =	rddreg [dreg:$0x1]  }
0x3: {  	s0 =	srdreg.scid;
	s1 =	rddreg [dreg:$0x2]  }
0x4: {  	s3 =	simm.s32 $0x0;
	s13 =	simm.s32 $0x80;
	s7 =	sand.u32 $0x1, s0  }
0x5: {  	s14 =	simm.s32 $0x50;
	s0 =	stileid.u32;
	s4 =	smul.u32 $0x27100, s7  }
0x6: {  	s15 =	simm.s32 $0x100;
	s16 =	simm.s32 $0x1;
	s5 =	smul.u32 $0x2710, s0  }
0x7: {  	s17 =	simm.s32 $0x0;
	[smem:$0x7FF] =	sst s3;
	s8 =	smul.u32 $0x140000, s7  }
0x8: {  	s9 =	smul.u32 $0x14000, s0;
	_ =	strace $0x8000004A;
	s7 =	ssub.s32 $0x2, s7  }
0x9: {  	s29 =	smul.u32 $0x50000, s0;
	s31 =	sshll.u32 s0, $0x6;
	s30 =	sshrl.u32 s7, $0x1  }
0xa: {  	s5 =	sadd.s32 s5, s4;
	s4 =	sadd.s32 $0x17C00, s6;
	s8 =	sadd.s32 s9, s8  }
0xb: {  	s9 =	sshrl.u32 s29, $0x2;
	s11 =	ssub.s32 s7, s30;
	s5 =	sshrl.u32 s5, $0x3  }
0xc: {  	s8 =	sshrl.u32 s8, $0x3;
	s12 =	sadd.s32 s9, s2;
	s10 =	sadd.s32 s5, s6  }
0xd: {  	s5 =	sadd.s32 $0x3EE00, s6;
	s8 =	sadd.s32 s8, s6;
	s6 =	sor.u32 $0x1C02, s31  }
0xe: {  	s7 =	sadd.s32 $0x41600, s8;
	s8 =	smax.u32 s11, $0x1;
	s9 =	sadd.s32 $0x4000, s10  }
0xf: {  	s10 =	sadd.s32 $0xDE00, s10;
	s11 =	sshrl.u32 s12, $0x3;
	s12 =	simm.s32 $0x2  }
.LBB2_1:
0x10: {  	[spmem:s11], [sflag:s6] =	dma.local [hbm:s5], $0x2800  }
0x11: {  	_ =	swait.ge [sflag:s12], $0x2800  }
0x12: {  	[sflag:s12] =	ssyncset.done $0x0  }
0x13: {  	[sflag:s12] =	ssyncadd.s32 $0xFFFFD800  }
0x14: {  	s18 =	sadd.s32 $0x0, s10;
	[bflag:$0x0] =	sbarrier.arrive $0xFFFF  }
0x15: {  	[tilespmem:s3], [sflag:$0x2] =	stream.linear.gather [hbm4b:s18+s3], $0x50, $0x38;
	[tilespmem:$0x16900] =	vst v63  }
0x16: {  	_ =	swait.ge [sflag:s12], $0x50  }
0x17: {  	[sflag:s12] =	ssyncset.done $0x0  }
0x18: {  	s31 =	sadd.s32 $0x0, s9;
	[sflag:s12] =	ssyncadd.s32 $0xFFFFFFB0  }
0x19: {  	[tilespmem:s13], [sflag:$0x2] =	stream.linear.gather [hbm4b:s31+s3], $0x50, $0x38;
	[tilespmem:$0x16900] =	vst v63  }
0x1a: {  	_ =	swait.ge [sflag:s12], $0x50  }
0x1b: {  	[sflag:s12] =	ssyncset.done $0x0  }
0x1c: {  	[sflag:s12] =	ssyncadd.s32 $0xFFFFFFB0  }
0x1d: {  	[tilespmem:s15], [sflag:$0x1] =	stream.indirect.gather [hbm4b:s4+s14], $0x80, s3, s14, $0xb8;
	[tilespmem:$0x16900] =	vst v63  }
0x1e: {  	_ =	swait.ge [sflag:s16], $0x2800  }
0x1f: {  	[sflag:s16] =	ssyncset.done $0x0  }
0x20: {  	[sflag:s16] =	ssyncadd.s32 $0xFFFFD800  }
0x21: {  	[spmem:s2] =	stream.indirect.scatter.add.f32 [tilespmem:s15], [sflag:$0x2], $0x80, s13, s14, $0xb8;
	[tilespmem:$0x16900] =	vst v63  }
0x22: {  	_ =	swait.ge [sflag:s12], $0x2800  }
0x23: {  	s19 =	simm.s32 $0x14;
	s18 =	simm.s32 $0xA;
	[sflag:s12] =	ssyncset.done $0x0  }
.LBB2_2:
0x24: {  	s20 =	sadd.s32 s18, s10  }
0x25: {  	[sflag:s12] =	ssyncadd.s32 $0xFFFFD800;
	s21 =	smov.u32 s19;
	s22 =	sadd.s32 $0xA, s19  }
0x26: {  	[tilespmem:s3], [sflag:$0x2] =	stream.linear.gather [hbm4b:s20+s3], $0x50, $0x38;
	[tilespmem:$0x16900] =	vst v63  }
0x27: {  	p0 =	sne.s32 s19, $0x4D8;
	_ =	swait.ge [sflag:s12], $0x50  }
0x28: {  	[sflag:s12] =	ssyncset.done $0x0  }
0x29: {  	s19 =	sadd.s32 s18, s9;
	s18 =	smov.u32 s21;
	[sflag:s12] =	ssyncadd.s32 $0xFFFFFFB0  }
0x2a: {  	[tilespmem:s13], [sflag:$0x2] =	stream.linear.gather [hbm4b:s19+s3], $0x50, $0x38;
	[tilespmem:$0x16900] =	vst v63  }
0x2b: {  	_ =	swait.ge [sflag:s12], $0x50  }
0x2c: {  	[sflag:s12] =	ssyncset.done $0x0  }
0x2d: {  	[sflag:s12] =	ssyncadd.s32 $0xFFFFFFB0  }
0x2e: {  	[tilespmem:s15], [sflag:$0x1] =	stream.indirect.gather [hbm4b:s4+s14], $0x80, s3, s14, $0xb8;
	[tilespmem:$0x16900] =	vst v63  }
0x2f: {  	_ =	swait.ge [sflag:s16], $0x2800  }
.Ltmp0:
0x30: {  	[sflag:s16] =	ssyncset.done $0x0;
	(pc) =	sbr.rel @p0 .LBB2_2-.Ltmp0, $4  }
0x31: {  	[sflag:s16] =	ssyncadd.s32 $0xFFFFD800  }
0x32: {  	[spmem:s2] =	stream.indirect.scatter.add.f32 [tilespmem:s15], [sflag:$0x2], $0x80, s13, s14, $0xb8;
	[tilespmem:$0x16900] =	vst v63  }
0x33: {  	_ =	swait.ge [sflag:s12], $0x2800  }
0x34: {  	s19 =	smov.u32 s22;
	[sflag:s12] =	ssyncset.done $0x0  }
0x35: {  	s19 =	sadd.s32 s18, s10;
	[sflag:s12] =	ssyncadd.s32 $0xFFFFD800  }
0x36: {  	[tilespmem:s3], [sflag:$0x2] =	stream.linear.gather [hbm4b:s19+s3], $0x50, $0x38;
	[tilespmem:$0x16900] =	vst v63  }
0x37: {  	_ =	swait.ge [sflag:s12], $0x50  }
0x38: {  	[sflag:s12] =	ssyncset.done $0x0  }
0x39: {  	s31 =	sadd.s32 s18, s9;
	[sflag:s12] =	ssyncadd.s32 $0xFFFFFFB0  }
0x3a: {  	[tilespmem:s13], [sflag:$0x2] =	stream.linear.gather [hbm4b:s31+s3], $0x50, $0x38;
	[tilespmem:$0x16900] =	vst v63  }
0x3b: {  	_ =	swait.ge [sflag:s12], $0x50  }
0x3c: {  	[sflag:s12] =	ssyncset.done $0x0  }
0x3d: {  	[sflag:s12] =	ssyncadd.s32 $0xFFFFFFB0  }
0x3e: {  	[tilespmem:s15], [sflag:$0x1] =	stream.indirect.gather [hbm4b:s4+s14], $0x80, s3, s14, $0xb8;
	[tilespmem:$0x16900] =	vst v63  }
0x3f: {  	_ =	swait.ge [sflag:s16], $0x2800  }
0x40: {  	[sflag:s16] =	ssyncset.done $0x0  }
0x41: {  	[sflag:s16] =	ssyncadd.s32 $0xFFFFD800  }
0x42: {  	[spmem:s2] =	stream.indirect.scatter.add.f32 [tilespmem:s15], [sflag:$0x2], $0x80, s13, s14, $0xb8;
	[tilespmem:$0x16900] =	vst v63  }
0x43: {  	_ =	swait.ge [sflag:s12], $0x2800  }
0x44: {  	s17 =	sadd.s32 $0x1, s17;
	[sflag:s12] =	ssyncset.done $0x0  }
0x45: {  	p0 =	sne.s32 s17, s8;
	[sflag:s12] =	ssyncadd.s32 $0xFFFFD800  }
.Ltmp1:
0x46: {  	[bflag:$0x0] =	sbarrier.arrive $0xFFFF;
	(pc) =	sbr.rel @p0 .LBB2_1-.Ltmp1, $4  }
0x47: {  	[hbm:s7], [sflag:s6] =	dma.local [spmem:s11], $0x2800  }
0x48: {  	_ =	swait.ge [sflag:s12], $0x2800  }
0x49: {  	[sflag:s12] =	ssyncset.done $0x0  }
0x4a: {  	[sflag:s12] =	ssyncadd.s32 $0xFFFFD800  }
0x4b: {  	_ =	sfence.sel $0x180000  }
0x4c: {  	[bflag:$0x0] =	sbarrier.arrive $0xFFFF  }
0x4d: {  	p0 =	sne.s32 s0, $0x0;
	_ =	strace $0x9000004A  }
0x4e: {  	s0 =	sadd.s32 @!p0 $0x100000, s1;
	[bflag:$0x2] =	sbarrier.arrive $0xFFFF  }
0x4f: {  	[sflag:s0] =	ssyncadd.tile.s32 @!p0 $0x1;
	_ =	shalt  }
.Lfunc_end2:
_tile_overlayer_lowered:
.L_overlay_start_2:
0x50: {  	(tag) =	ssettag $0x2  }
0x51: {  	s0 =	rddreg [dreg:$0x0];
	s2 =	stileid.u32  }
0x52: {  	s1 =	rddreg [dreg:$0x1];
	p0 =	sne.s32 s2, $0x0  }
0x53: {  	s3 =	rddreg [dreg:$0x2];
	[bflag:$0x3] =	sbarrier.arrive $0xFFFF;
	s2 =	simm.s32 @!p0 $0x1C02  }
0x54: {  	[timem:s3], [sflag:s2] =	dma.local @!p0 [hbm:s0], s1  }
0x55: {  	s0 =	simm.s32 @!p0 $0x2  }
0x56: {  	_ =	swait.ge @!p0 [sflag:s0], s1  }
0x57: {  	s1 =	ssub.s32 @!p0 $0x0, s1;
	[sflag:s0] =	ssyncset.done @!p0 $0x0  }
0x58: {  	[sflag:s0] =	ssyncadd.s32 @!p0 s1  }
0x59: {  	[bflag:$0x3] =	sbarrier.arrive $0xFFFF  }
0x5a: {  	_ =	shalt  }

// kernel: kernel.15.cloned.1.call-start
scs
__scs_entry_jumppad:
0x0: {  	(pc) =	sbr.rel $0x88, $3  }
0x1: {  	(tag) =	ssettag $0x0;
	lr =	simm.s32 $0x1  }
0x2: {  	[smem:$0x3F90] =	sst lr;
	_ =	strace $0xD0000000  }
0x3: {  	_ = 	snop  }
0x4: {  	_ = 	snop  }
0x5: {  	_ = 	snop  }
0x6: {  	_ = 	snop  }
0x7: {  	_ = 	snop  }
__scs_overlays_trampoline_lowered:
0x8: {  	[smem:$0x3F9F] =	sst s0  }
0x9: {  	[smem:$0x3FA0] =	sst s1  }
0xa: {  	[smem:$0x3FA1] =	sst s2  }
0xb: {  	[smem:$0x3FA2] =	sst s3  }
0xc: {  	[smem:$0x3FA3] =	sst s4  }
0xd: {  	[smem:$0x3FA4] =	sst s5  }
0xe: {  	[smem:$0x3FA5] =	sst s6  }
0xf: {  	[smem:$0x3FA6] =	sst s7  }
0x10: {  	[smem:$0x3FA7] =	sst s8  }
0x11: {  	[smem:$0x3FA8] =	sst s9;
	s0 =	simm.s32 @!p0 $0x0  }
0x12: {  	s1 =	sld [smem:$0x3F8E];
	s0 =	simm.s32 @p0 $0x1  }
0x13: {  	[smem:$0x3FA9] =	sst s0;
	s0 =	simm.s32 @!p1 $0x0  }
0x14: {  	s2 =	sld [smem:$0x3F8D];
	s0 =	simm.s32 @p1 $0x1  }
0x15: {  	[smem:$0x3FAA] =	sst s0;
	s0 =	simm.s32 @!p2 $0x0  }
0x16: {  	s3 =	sld [smem:$0x3FDB];
	s0 =	simm.s32 @p2 $0x1  }
0x17: {  	s4 =	simm.s32 $0x1BF5;
	[smem:$0x3FAC] =	sst s0  }
0x18: {  	s0 =	sld [smem:$0x3F8F];
	_ =	swait.ge [sflag:s4], $0x0  }
0x19: {  	s7 =	sld [smem:$0x3F90]  }
0x1a: {  	s8 =	sadd.s32 $0xFFFFE003, lr  }
0x1b: {  	s9 =	sadd.s32 $0xFFFFFEF7, lr;
	s5 =	simm.s32 $0xFFFFFFFF;
	p2 =	slt.u32 s8, $0xFFFFF086  }
0x1c: {  	p1 =	slt.u32 s9, $0xF7A;
	s5 =	simm.s32 @!p2 $0x0  }
0x1d: {  	s5 =	simm.s32 @p1 $0x1;
	p0 =	seq.s32 s7, s2  }
0x1e: {  	s7 =	smul.u32 @!p0 $0xF7A, s2;
	p2 =	seq.s32 @!p0 s5, $0x0  }
0x1f: {  	s9 =	smul.u32 $0xF7A, s1;
	s8 =	simm.s32 @!p0 $0x1BF5;
	p2 =	por !p2, p0  }
0x20: {  	[sflag:s8] =	ssyncset.s32 @!p0 $0xFFFFF086;
	s6 =	sadd.s32 @!p0 s3, s7;
	s7 =	simm.s32 @!p0 $0x108  }
0x21: {  	s3 =	sadd.s32 s3, s9;
	s6 =	sadd.s32 @!p0 $0x88, s6;
	s7 =	simm.s32 @p2 $0x1082  }
0x22: {  	[simem:s7], [sflag:s8] =	dma.local @!p0 [hbm:s6], $0xF7A  }
0x23: {  	s9 =	sor.u32 $0xD0000000, s2;
	s6 =	simm.s32 $0x108;
	_ =	swait.ge @!p0 [sflag:s8], $0x0  }
0x24: {  	s3 =	sadd.s32 $0x88, s3;
	s6 =	simm.s32 @!p1 $0x1082;
	[sflag:s4] =	ssyncset.s32 $0xFFFFF086  }
0x25: {  	[simem:s6], [sflag:s4] =	dma.local [hbm:s3], $0xF7A  }
0x26: {  	[smem:$0x3F90] =	sst s1;
	(tag) =	ssettag s2;
	_ =	strace s9  }
0x27: {  	s1 =	sld [smem:$0x3FA0]  }
0x28: {  	s2 =	sld [smem:$0x3FA1]  }
0x29: {  	s4 =	sld [smem:$0x3FA3]  }
0x2a: {  	p0 =	seq.s32 s5, $0x0;
	s5 =	sld [smem:$0x3FA4]  }
0x2b: {  	s6 =	sld [smem:$0x3FA5]  }
0x2c: {  	s7 =	sld [smem:$0x3FA6]  }
0x2d: {  	s3 =	simm.s32 $0x108;
	s8 =	sld [smem:$0x3FA7]  }
0x2e: {  	s3 =	simm.s32 @!p0 $0x1082;
	s9 =	sld [smem:$0x3FA8]  }
0x2f: {  	lr =	sadd.s32 s0, s3;
	s0 =	sld [smem:$0x3F9F]  }
0x30: {  	s3 =	sld [smem:$0x3FA2]  }
0x31: {  	[smem:$0x3FAB] =	sst s10  }
0x32: {  	s10 =	sld [smem:$0x3FA9];
	_ =	sdelay $0x3  }
0x33: {  	p0 =	seq.s32 s10, $0x1;
	s10 =	sld [smem:$0x3FAB];
	_ =	sdelay $0x3  }
0x34: {  	[smem:$0x3FAB] =	sst s10  }
0x35: {  	s10 =	sld [smem:$0x3FAA];
	_ =	sdelay $0x3  }
0x36: {  	p1 =	seq.s32 s10, $0x1;
	s10 =	sld [smem:$0x3FAB];
	_ =	sdelay $0x3  }
0x37: {  	[smem:$0x3FAB] =	sst s10  }
0x38: {  	s10 =	sld [smem:$0x3FAC]  }
0x39: {  	_ = 	snop;
	(pc) =	sbr.ind lr, $3  }
0x3a: {  	_ = 	snop  }
0x3b: {  	_ = 	snop  }
0x3c: {  	p2 =	seq.s32 s10, $0x1;
	s10 =	sld [smem:$0x3FAB]  }
0x3d: {  	_ =	shalt  }
0x3e: {  	_ =	shalt  }
0x3f: {  	_ =	shalt  }
0x40: {  	_ =	shalt  }
0x41: {  	_ =	shalt  }
0x42: {  	_ =	shalt  }
0x43: {  	_ =	shalt  }
0x44: {  	_ =	shalt  }
0x45: {  	_ =	shalt  }
0x46: {  	_ =	shalt  }
0x47: {  	_ =	shalt  }
0x48: {  	_ =	shalt  }
0x49: {  	_ =	shalt  }
0x4a: {  	_ =	shalt  }
0x4b: {  	_ =	shalt  }
0x4c: {  	_ =	shalt  }
0x4d: {  	_ =	shalt  }
0x4e: {  	_ =	shalt  }
0x4f: {  	_ =	shalt  }
0x50: {  	_ =	shalt  }
0x51: {  	_ =	shalt  }
0x52: {  	_ =	shalt  }
0x53: {  	_ =	shalt  }
0x54: {  	_ =	shalt  }
0x55: {  	_ =	shalt  }
0x56: {  	_ =	shalt  }
0x57: {  	_ =	shalt  }
0x58: {  	_ =	shalt  }
0x59: {  	_ =	shalt  }
0x5a: {  	_ =	shalt  }
0x5b: {  	_ =	shalt  }
0x5c: {  	_ =	shalt  }
0x5d: {  	_ =	shalt  }
0x5e: {  	_ =	shalt  }
0x5f: {  	_ =	shalt  }
0x60: {  	_ =	shalt  }
0x61: {  	_ =	shalt  }
0x62: {  	_ =	shalt  }
0x63: {  	_ =	shalt  }
0x64: {  	_ =	shalt  }
0x65: {  	_ =	shalt  }
0x66: {  	_ =	shalt  }
0x67: {  	_ =	shalt  }
0x68: {  	_ =	shalt  }
0x69: {  	_ =	shalt  }
0x6a: {  	_ =	shalt  }
0x6b: {  	_ =	shalt  }
0x6c: {  	_ =	shalt  }
0x6d: {  	_ =	shalt  }
0x6e: {  	_ =	shalt  }
0x6f: {  	_ =	shalt  }
0x70: {  	_ =	shalt  }
0x71: {  	_ =	shalt  }
0x72: {  	_ =	shalt  }
0x73: {  	_ =	shalt  }
0x74: {  	_ =	shalt  }
0x75: {  	_ =	shalt  }
0x76: {  	_ =	shalt  }
0x77: {  	_ =	shalt  }
0x78: {  	_ =	shalt  }
0x79: {  	_ =	shalt  }
0x7a: {  	_ =	shalt  }
0x7b: {  	_ =	shalt  }
0x7c: {  	_ =	shalt  }
0x7d: {  	_ =	shalt  }
0x7e: {  	_ =	shalt  }
0x7f: {  	_ =	shalt  }
0x80: {  	_ =	shalt  }
0x81: {  	_ =	shalt  }
0x82: {  	_ =	shalt  }
0x83: {  	_ =	shalt  }
0x84: {  	_ =	shalt  }
0x85: {  	_ =	shalt  }
0x86: {  	_ =	shalt  }
0x87: {  	_ =	shalt  }
.Lfunc_end0:
.L_simem_size_0:
called_computation.2_lowered:
.L_overlay_start_0:
0x88: {  	s2 =	sld [smem:$0x3FD9]  }
0x89: {  	s3 =	sld [smem:$0x3FFE];
	_ =	sdelay $0x1  }
0x8a: {  	s1 =	srdreg.scid  }
0x8b: {  	s0 =	sand.u32 $0x1, s1  }
0x8c: {  	s16 =	sshll.u32 s0, $0xA;
	s2 =	sadd.s32 s3, s2  }
0x8d: {  	s2 =	sadd.s32 s2, s16  }
0x8e: {  	[smem:$0x3FB7] =	sst s2  }
0x8f: {  	_ = 	snop  }
0x90: {  	(tm) =	ssettm $0x1  }
0x91: {  	s17 =	sld [smem:$0x3FFB];
	_ =	sdelay $0x3  }
0x92: {  	_ =	strace s17  }
0x93: {  	s2 =	sld [smem:$0x3FFC];
	_ =	sdelay $0x3  }
0x94: {  	_ =	strace s2  }
0x95: {  	s2 =	sld [smem:$0x3FFD];
	_ =	sdelay $0x3  }
0x96: {  	_ =	strace s2  }
0x97: {  	_ =	strace $0x8FFFFFFF  }
0x98: {  	s18 =	sld [smem:$0x3FDB];
	_ =	sdelay $0x1  }
0x99: {  	s19 =	simm.s32 $_scs_section_size  }
0x9a: {  	s4 =	simm.s32 $_size__tile_overlayer_lowered;
	s5 =	simm.s32 $_tile_overlayer_lowered  }
0x9b: {  	s22 =	simm.s32 $0x1BFF;
	s21 =	sshll.u32 s5, $0x1;
	s2 =	sadd.s32 s19, s18  }
0x9c: {  	s6 =	simm.s32 $0x0;
	s20 =	sshll.u32 s4, $0x1;
	s4 =	sadd.s32 s21, s2  }
0x9d: {  	[timem:s6], [sflag:s22] =	dma.local [hbm:s4], s20  }
0x9e: {  	_ =	swait.ge [sflag:s22], s20  }
0x9f: {  	s3 =	ssub.s32 $0x0, s20;
	[sflag:s22] =	ssyncset.done $0x0  }
0xa0: {  	[sflag:s22] =	ssyncadd.s32 s3;
	_ =	sdelay $0x1  }
0xa1: {  	s23 =	simm.s32 $0x1B8B  }
0xa2: {  	_ =	swait.ge [sflag:s23], $0x1  }
0xa3: {  	[sflag:s23] =	ssyncset.done $0x0  }
0xa4: {  	s25 =	simm.s32 $0x1B8E;
	s24 =	sld [smem:$0x3FFE];
	[sflag:s23] =	ssyncadd.s32 $0xFFFFFFFF  }
0xa5: {  	s26 =	simm.s32 $execute0_lowered;
	[smem:$0x3FD2] =	sst s25  }
0xa6: {  	s4 =	sshll.u32 s26, $0x1;
	_ =	strace $0x8000004C;
	[dreg:$0x1] =	wrdreg $0xFFFFFFFF  }
0xa7: {  	s28 =	simm.s32 $_size_execute0_lowered;
	s2 =	sadd.s32 s2, s4;
	[dreg:$0x0] =	wrdreg $0x0  }
0xa8: {  	s4 =	sshll.u32 s28, $0x1;
	[dreg:$0x2] =	wrdreg s2  }
0xa9: {  	[dreg:$0x3] =	wrdreg s4  }
0xaa: {  	[dreg:$0x4] =	wrdreg $0xC0  }
0xab: {  	_ =	task [dreg:s6], $0x5FFFF  }
0xac: {  	[dreg:$0x1] =	wrdreg $0xFFFFFFFF  }
0xad: {  	[dreg:$0x0] =	wrdreg $0x60  }
0xae: {  	[dreg:$0x2] =	wrdreg s24  }
0xaf: {  	[dreg:$0x3] =	wrdreg $0x29000  }
0xb0: {  	[dreg:$0x4] =	wrdreg $0x9  }
0xb1: {  	_ =	task.clear_ibuf [dreg:s6], $0x5FFFF;
	_ =	strace $0x9000004C  }
0xb2: {  	s29 =	simm.s32 $0x9;
	_ =	strace $0x8000004E  }
0xb3: {  	_ =	swait.ge [sflag:s29], $0x1  }
0xb4: {  	[sflag:s29] =	ssyncadd.s32 $0xFFFFFFFF  }
0xb5: {  	_ =	strace $0x9000004E  }
0xb6: {  	_ =	sfence  }
0xb7: {  	s30 =	sld [smem:$0x0];
	_ =	sdelay $0x2  }
0xb8: {  	s31 =	sshll.u32 s1, $0xD;
	s1 =	sshrl.u32 s1, $0x2  }
0xb9: {  	s3 =	sand.u32 $0x4000, s31;
	s1 =	sadd.s32 s1, s30  }
0xba: {  	s0 =	sor.u32 s3, s0;
	s1 =	sshll.u32 s1, $0x11  }
0xbb: {  	s0 =	sor.u32 s1, s0  }
0xbc: {  	s0 =	sadd.s32 $0x8F2B, s0  }
0xbd: {  	[sflag:s0] =	ssyncadd.remote.s32 $0x1  }
0xbe: {  	_ =	sfence.sel $0xFFFF  }
0xbf: {  	[dreg:$0x0] =	wrdreg $0xFFFFFFFF;
	(pc) =	sbr.abs _section_cstart, $3  }
0xc0: {  	[dreg:$0x1] =	wrdreg $0xFFFFFFFF  }
0xc1: {  	_ =	task.clear_ibuf [dreg:s6], $0x2FFFF;
	_ =	strace $0x9FFFFFFF  }
0xc2: {  	(tm) =	ssettm $0x7FFFFFFF  }
0xc3: {  	_ =	shalt  }
tec
execute0_lowered:
.L_overlay_start_1:
0x0: {  	(tag) =	ssettag $0x1  }
0x1: {  	s6 =	rddreg [dreg:$0x0]  }
0x2: {  	s2 =	rddreg [dreg:$0x1]  }
0x3: {  	s0 =	srdreg.scid;
	s1 =	rddreg [dreg:$0x2]  }
0x4: {  	s3 =	simm.s32 $0x0;
	s13 =	simm.s32 $0x80;
	s7 =	sand.u32 $0x1, s0  }
0x5: {  	s14 =	simm.s32 $0x50;
	s0 =	stileid.u32;
	s4 =	smul.u32 $0x27100, s7  }
0x6: {  	s15 =	simm.s32 $0x100;
	s16 =	simm.s32 $0x1;
	s5 =	smul.u32 $0x2710, s0  }
0x7: {  	s17 =	simm.s32 $0x0;
	[smem:$0x7FF] =	sst s3;
	s8 =	smul.u32 $0x140000, s7  }
0x8: {  	s9 =	smul.u32 $0x14000, s0;
	_ =	strace $0x8000004D;
	s7 =	ssub.s32 $0x2, s7  }
0x9: {  	s29 =	smul.u32 $0x50000, s0;
	s31 =	sshll.u32 s0, $0x6;
	s30 =	sshrl.u32 s7, $0x1  }
0xa: {  	s5 =	sadd.s32 s5, s4;
	s4 =	sadd.s32 $0x17C00, s6;
	s8 =	sadd.s32 s9, s8  }
0xb: {  	s9 =	sshrl.u32 s29, $0x2;
	s11 =	ssub.s32 s7, s30;
	s5 =	sshrl.u32 s5, $0x3  }
0xc: {  	s8 =	sshrl.u32 s8, $0x3;
	s12 =	sadd.s32 s9, s2;
	s10 =	sadd.s32 s5, s6  }
0xd: {  	s5 =	sadd.s32 $0x3EE00, s6;
	s8 =	sadd.s32 s8, s6;
	s6 =	sor.u32 $0x1C02, s31  }
0xe: {  	s7 =	sadd.s32 $0x41600, s8;
	s8 =	smax.u32 s11, $0x1;
	s9 =	sadd.s32 $0x4000, s10  }
0xf: {  	s10 =	sadd.s32 $0xDE00, s10;
	s11 =	sshrl.u32 s12, $0x3;
	s12 =	simm.s32 $0x2  }
.LBB2_1:
0x10: {  	[spmem:s11], [sflag:s6] =	dma.local [hbm:s5], $0x2800  }
0x11: {  	_ =	swait.ge [sflag:s12], $0x2800  }
0x12: {  	[sflag:s12] =	ssyncset.done $0x0  }
0x13: {  	[sflag:s12] =	ssyncadd.s32 $0xFFFFD800  }
0x14: {  	s18 =	sadd.s32 $0x0, s10;
	[bflag:$0x0] =	sbarrier.arrive $0xFFFF  }
0x15: {  	[tilespmem:s3], [sflag:$0x2] =	stream.linear.gather [hbm4b:s18+s3], $0x50, $0x38;
	[tilespmem:$0x16900] =	vst v63  }
0x16: {  	_ =	swait.ge [sflag:s12], $0x50  }
0x17: {  	[sflag:s12] =	ssyncset.done $0x0  }
0x18: {  	s31 =	sadd.s32 $0x0, s9;
	[sflag:s12] =	ssyncadd.s32 $0xFFFFFFB0  }
0x19: {  	[tilespmem:s13], [sflag:$0x2] =	stream.linear.gather [hbm4b:s31+s3], $0x50, $0x38;
	[tilespmem:$0x16900] =	vst v63  }
0x1a: {  	_ =	swait.ge [sflag:s12], $0x50  }
0x1b: {  	[sflag:s12] =	ssyncset.done $0x0  }
0x1c: {  	[sflag:s12] =	ssyncadd.s32 $0xFFFFFFB0  }
0x1d: {  	[tilespmem:s15], [sflag:$0x1] =	stream.indirect.gather [hbm4b:s4+s14], $0x80, s3, s14, $0xb8;
	[tilespmem:$0x16900] =	vst v63  }
0x1e: {  	_ =	swait.ge [sflag:s16], $0x2800  }
0x1f: {  	[sflag:s16] =	ssyncset.done $0x0  }
0x20: {  	[sflag:s16] =	ssyncadd.s32 $0xFFFFD800  }
0x21: {  	[spmem:s2] =	stream.indirect.scatter.add.f32 [tilespmem:s15], [sflag:$0x2], $0x80, s13, s14, $0xb8;
	[tilespmem:$0x16900] =	vst v63  }
0x22: {  	_ =	swait.ge [sflag:s12], $0x2800  }
0x23: {  	s19 =	simm.s32 $0x14;
	s18 =	simm.s32 $0xA;
	[sflag:s12] =	ssyncset.done $0x0  }
.LBB2_2:
0x24: {  	s20 =	sadd.s32 s18, s10  }
0x25: {  	[sflag:s12] =	ssyncadd.s32 $0xFFFFD800;
	s21 =	smov.u32 s19;
	s22 =	sadd.s32 $0xA, s19  }
0x26: {  	[tilespmem:s3], [sflag:$0x2] =	stream.linear.gather [hbm4b:s20+s3], $0x50, $0x38;
	[tilespmem:$0x16900] =	vst v63  }
0x27: {  	p0 =	sne.s32 s19, $0x4D8;
	_ =	swait.ge [sflag:s12], $0x50  }
0x28: {  	[sflag:s12] =	ssyncset.done $0x0  }
0x29: {  	s19 =	sadd.s32 s18, s9;
	s18 =	smov.u32 s21;
	[sflag:s12] =	ssyncadd.s32 $0xFFFFFFB0  }
0x2a: {  	[tilespmem:s13], [sflag:$0x2] =	stream.linear.gather [hbm4b:s19+s3], $0x50, $0x38;
	[tilespmem:$0x16900] =	vst v63  }
0x2b: {  	_ =	swait.ge [sflag:s12], $0x50  }
0x2c: {  	[sflag:s12] =	ssyncset.done $0x0  }
0x2d: {  	[sflag:s12] =	ssyncadd.s32 $0xFFFFFFB0  }
0x2e: {  	[tilespmem:s15], [sflag:$0x1] =	stream.indirect.gather [hbm4b:s4+s14], $0x80, s3, s14, $0xb8;
	[tilespmem:$0x16900] =	vst v63  }
0x2f: {  	_ =	swait.ge [sflag:s16], $0x2800  }
.Ltmp0:
0x30: {  	[sflag:s16] =	ssyncset.done $0x0;
	(pc) =	sbr.rel @p0 .LBB2_2-.Ltmp0, $4  }
0x31: {  	[sflag:s16] =	ssyncadd.s32 $0xFFFFD800  }
0x32: {  	[spmem:s2] =	stream.indirect.scatter.add.f32 [tilespmem:s15], [sflag:$0x2], $0x80, s13, s14, $0xb8;
	[tilespmem:$0x16900] =	vst v63  }
0x33: {  	_ =	swait.ge [sflag:s12], $0x2800  }
0x34: {  	s19 =	smov.u32 s22;
	[sflag:s12] =	ssyncset.done $0x0  }
0x35: {  	s19 =	sadd.s32 s18, s10;
	[sflag:s12] =	ssyncadd.s32 $0xFFFFD800  }
0x36: {  	[tilespmem:s3], [sflag:$0x2] =	stream.linear.gather [hbm4b:s19+s3], $0x50, $0x38;
	[tilespmem:$0x16900] =	vst v63  }
0x37: {  	_ =	swait.ge [sflag:s12], $0x50  }
0x38: {  	[sflag:s12] =	ssyncset.done $0x0  }
0x39: {  	s31 =	sadd.s32 s18, s9;
	[sflag:s12] =	ssyncadd.s32 $0xFFFFFFB0  }
0x3a: {  	[tilespmem:s13], [sflag:$0x2] =	stream.linear.gather [hbm4b:s31+s3], $0x50, $0x38;
	[tilespmem:$0x16900] =	vst v63  }
0x3b: {  	_ =	swait.ge [sflag:s12], $0x50  }
0x3c: {  	[sflag:s12] =	ssyncset.done $0x0  }
0x3d: {  	[sflag:s12] =	ssyncadd.s32 $0xFFFFFFB0  }
0x3e: {  	[tilespmem:s15], [sflag:$0x1] =	stream.indirect.gather [hbm4b:s4+s14], $0x80, s3, s14, $0xb8;
	[tilespmem:$0x16900] =	vst v63  }
0x3f: {  	_ =	swait.ge [sflag:s16], $0x2800  }
0x40: {  	[sflag:s16] =	ssyncset.done $0x0  }
0x41: {  	[sflag:s16] =	ssyncadd.s32 $0xFFFFD800  }
0x42: {  	[spmem:s2] =	stream.indirect.scatter.add.f32 [tilespmem:s15], [sflag:$0x2], $0x80, s13, s14, $0xb8;
	[tilespmem:$0x16900] =	vst v63  }
0x43: {  	_ =	swait.ge [sflag:s12], $0x2800  }
0x44: {  	s17 =	sadd.s32 $0x1, s17;
	[sflag:s12] =	ssyncset.done $0x0  }
0x45: {  	p0 =	sne.s32 s17, s8;
	[sflag:s12] =	ssyncadd.s32 $0xFFFFD800  }
.Ltmp1:
0x46: {  	[bflag:$0x0] =	sbarrier.arrive $0xFFFF;
	(pc) =	sbr.rel @p0 .LBB2_1-.Ltmp1, $4  }
0x47: {  	[hbm:s7], [sflag:s6] =	dma.local [spmem:s11], $0x2800  }
0x48: {  	_ =	swait.ge [sflag:s12], $0x2800  }
0x49: {  	[sflag:s12] =	ssyncset.done $0x0  }
0x4a: {  	[sflag:s12] =	ssyncadd.s32 $0xFFFFD800  }
0x4b: {  	_ =	sfence.sel $0x180000  }
0x4c: {  	[bflag:$0x0] =	sbarrier.arrive $0xFFFF  }
0x4d: {  	p0 =	sne.s32 s0, $0x0;
	_ =	strace $0x9000004D  }
0x4e: {  	s0 =	sadd.s32 @!p0 $0x100000, s1;
	[bflag:$0x2] =	sbarrier.arrive $0xFFFF  }
0x4f: {  	[sflag:s0] =	ssyncadd.tile.s32 @!p0 $0x1;
	_ =	shalt  }
.Lfunc_end2:
_tile_overlayer_lowered:
.L_overlay_start_2:
0x50: {  	(tag) =	ssettag $0x2  }
0x51: {  	s0 =	rddreg [dreg:$0x0];
	s2 =	stileid.u32  }
0x52: {  	s1 =	rddreg [dreg:$0x1];
	p0 =	sne.s32 s2, $0x0  }
0x53: {  	s3 =	rddreg [dreg:$0x2];
	[bflag:$0x3] =	sbarrier.arrive $0xFFFF;
	s2 =	simm.s32 @!p0 $0x1C02  }
0x54: {  	[timem:s3], [sflag:s2] =	dma.local @!p0 [hbm:s0], s1  }
0x55: {  	s0 =	simm.s32 @!p0 $0x2  }
0x56: {  	_ =	swait.ge @!p0 [sflag:s0], s1  }
0x57: {  	s1 =	ssub.s32 @!p0 $0x0, s1;
	[sflag:s0] =	ssyncset.done @!p0 $0x0  }
0x58: {  	[sflag:s0] =	ssyncadd.s32 @!p0 s1  }
0x59: {  	[bflag:$0x3] =	sbarrier.arrive $0xFFFF  }
0x5a: {  	_ =	shalt  }

// kernel: kernel.9.cloned.1.call-start
scs
__scs_entry_jumppad:
0x0: {  	(pc) =	sbr.rel $0x88, $3  }
0x1: {  	(tag) =	ssettag $0x0;
	lr =	simm.s32 $0x1  }
0x2: {  	[smem:$0x3F90] =	sst lr;
	_ =	strace $0xD0000000  }
0x3: {  	_ = 	snop  }
0x4: {  	_ = 	snop  }
0x5: {  	_ = 	snop  }
0x6: {  	_ = 	snop  }
0x7: {  	_ = 	snop  }
__scs_overlays_trampoline_lowered:
0x8: {  	[smem:$0x3F9F] =	sst s0  }
0x9: {  	[smem:$0x3FA0] =	sst s1  }
0xa: {  	[smem:$0x3FA1] =	sst s2  }
0xb: {  	[smem:$0x3FA2] =	sst s3  }
0xc: {  	[smem:$0x3FA3] =	sst s4  }
0xd: {  	[smem:$0x3FA4] =	sst s5  }
0xe: {  	[smem:$0x3FA5] =	sst s6  }
0xf: {  	[smem:$0x3FA6] =	sst s7  }
0x10: {  	[smem:$0x3FA7] =	sst s8  }
0x11: {  	[smem:$0x3FA8] =	sst s9;
	s0 =	simm.s32 @!p0 $0x0  }
0x12: {  	s1 =	sld [smem:$0x3F8E];
	s0 =	simm.s32 @p0 $0x1  }
0x13: {  	[smem:$0x3FA9] =	sst s0;
	s0 =	simm.s32 @!p1 $0x0  }
0x14: {  	s2 =	sld [smem:$0x3F8D];
	s0 =	simm.s32 @p1 $0x1  }
0x15: {  	[smem:$0x3FAA] =	sst s0;
	s0 =	simm.s32 @!p2 $0x0  }
0x16: {  	s3 =	sld [smem:$0x3FDB];
	s0 =	simm.s32 @p2 $0x1  }
0x17: {  	s4 =	simm.s32 $0x1BF5;
	[smem:$0x3FAC] =	sst s0  }
0x18: {  	s0 =	sld [smem:$0x3F8F];
	_ =	swait.ge [sflag:s4], $0x0  }
0x19: {  	s7 =	sld [smem:$0x3F90]  }
0x1a: {  	s8 =	sadd.s32 $0xFFFFE003, lr  }
0x1b: {  	s9 =	sadd.s32 $0xFFFFFEF7, lr;
	s5 =	simm.s32 $0xFFFFFFFF;
	p2 =	slt.u32 s8, $0xFFFFF086  }
0x1c: {  	p1 =	slt.u32 s9, $0xF7A;
	s5 =	simm.s32 @!p2 $0x0  }
0x1d: {  	s5 =	simm.s32 @p1 $0x1;
	p0 =	seq.s32 s7, s2  }
0x1e: {  	s7 =	smul.u32 @!p0 $0xF7A, s2;
	p2 =	seq.s32 @!p0 s5, $0x0  }
0x1f: {  	s9 =	smul.u32 $0xF7A, s1;
	s8 =	simm.s32 @!p0 $0x1BF5;
	p2 =	por !p2, p0  }
0x20: {  	[sflag:s8] =	ssyncset.s32 @!p0 $0xFFFFF086;
	s6 =	sadd.s32 @!p0 s3, s7;
	s7 =	simm.s32 @!p0 $0x108  }
0x21: {  	s3 =	sadd.s32 s3, s9;
	s6 =	sadd.s32 @!p0 $0x88, s6;
	s7 =	simm.s32 @p2 $0x1082  }
0x22: {  	[simem:s7], [sflag:s8] =	dma.local @!p0 [hbm:s6], $0xF7A  }
0x23: {  	s9 =	sor.u32 $0xD0000000, s2;
	s6 =	simm.s32 $0x108;
	_ =	swait.ge @!p0 [sflag:s8], $0x0  }
0x24: {  	s3 =	sadd.s32 $0x88, s3;
	s6 =	simm.s32 @!p1 $0x1082;
	[sflag:s4] =	ssyncset.s32 $0xFFFFF086  }
0x25: {  	[simem:s6], [sflag:s4] =	dma.local [hbm:s3], $0xF7A  }
0x26: {  	[smem:$0x3F90] =	sst s1;
	(tag) =	ssettag s2;
	_ =	strace s9  }
0x27: {  	s1 =	sld [smem:$0x3FA0]  }
0x28: {  	s2 =	sld [smem:$0x3FA1]  }
0x29: {  	s4 =	sld [smem:$0x3FA3]  }
0x2a: {  	p0 =	seq.s32 s5, $0x0;
	s5 =	sld [smem:$0x3FA4]  }
0x2b: {  	s6 =	sld [smem:$0x3FA5]  }
0x2c: {  	s7 =	sld [smem:$0x3FA6]  }
0x2d: {  	s3 =	simm.s32 $0x108;
	s8 =	sld [smem:$0x3FA7]  }
0x2e: {  	s3 =	simm.s32 @!p0 $0x1082;
	s9 =	sld [smem:$0x3FA8]  }
0x2f: {  	lr =	sadd.s32 s0, s3;
	s0 =	sld [smem:$0x3F9F]  }
0x30: {  	s3 =	sld [smem:$0x3FA2]  }
0x31: {  	[smem:$0x3FAB] =	sst s10  }
0x32: {  	s10 =	sld [smem:$0x3FA9];
	_ =	sdelay $0x3  }
0x33: {  	p0 =	seq.s32 s10, $0x1;
	s10 =	sld [smem:$0x3FAB];
	_ =	sdelay $0x3  }
0x34: {  	[smem:$0x3FAB] =	sst s10  }
0x35: {  	s10 =	sld [smem:$0x3FAA];
	_ =	sdelay $0x3  }
0x36: {  	p1 =	seq.s32 s10, $0x1;
	s10 =	sld [smem:$0x3FAB];
	_ =	sdelay $0x3  }
0x37: {  	[smem:$0x3FAB] =	sst s10  }
0x38: {  	s10 =	sld [smem:$0x3FAC]  }
0x39: {  	_ = 	snop;
	(pc) =	sbr.ind lr, $3  }
0x3a: {  	_ = 	snop  }
0x3b: {  	_ = 	snop  }
0x3c: {  	p2 =	seq.s32 s10, $0x1;
	s10 =	sld [smem:$0x3FAB]  }
0x3d: {  	_ =	shalt  }
0x3e: {  	_ =	shalt  }
0x3f: {  	_ =	shalt  }
0x40: {  	_ =	shalt  }
0x41: {  	_ =	shalt  }
0x42: {  	_ =	shalt  }
0x43: {  	_ =	shalt  }
0x44: {  	_ =	shalt  }
0x45: {  	_ =	shalt  }
0x46: {  	_ =	shalt  }
0x47: {  	_ =	shalt  }
0x48: {  	_ =	shalt  }
0x49: {  	_ =	shalt  }
0x4a: {  	_ =	shalt  }
0x4b: {  	_ =	shalt  }
0x4c: {  	_ =	shalt  }
0x4d: {  	_ =	shalt  }
0x4e: {  	_ =	shalt  }
0x4f: {  	_ =	shalt  }
0x50: {  	_ =	shalt  }
0x51: {  	_ =	shalt  }
0x52: {  	_ =	shalt  }
0x53: {  	_ =	shalt  }
0x54: {  	_ =	shalt  }
0x55: {  	_ =	shalt  }
0x56: {  	_ =	shalt  }
0x57: {  	_ =	shalt  }
0x58: {  	_ =	shalt  }
0x59: {  	_ =	shalt  }
0x5a: {  	_ =	shalt  }
0x5b: {  	_ =	shalt  }
0x5c: {  	_ =	shalt  }
0x5d: {  	_ =	shalt  }
0x5e: {  	_ =	shalt  }
0x5f: {  	_ =	shalt  }
0x60: {  	_ =	shalt  }
0x61: {  	_ =	shalt  }
0x62: {  	_ =	shalt  }
0x63: {  	_ =	shalt  }
0x64: {  	_ =	shalt  }
0x65: {  	_ =	shalt  }
0x66: {  	_ =	shalt  }
0x67: {  	_ =	shalt  }
0x68: {  	_ =	shalt  }
0x69: {  	_ =	shalt  }
0x6a: {  	_ =	shalt  }
0x6b: {  	_ =	shalt  }
0x6c: {  	_ =	shalt  }
0x6d: {  	_ =	shalt  }
0x6e: {  	_ =	shalt  }
0x6f: {  	_ =	shalt  }
0x70: {  	_ =	shalt  }
0x71: {  	_ =	shalt  }
0x72: {  	_ =	shalt  }
0x73: {  	_ =	shalt  }
0x74: {  	_ =	shalt  }
0x75: {  	_ =	shalt  }
0x76: {  	_ =	shalt  }
0x77: {  	_ =	shalt  }
0x78: {  	_ =	shalt  }
0x79: {  	_ =	shalt  }
0x7a: {  	_ =	shalt  }
0x7b: {  	_ =	shalt  }
0x7c: {  	_ =	shalt  }
0x7d: {  	_ =	shalt  }
0x7e: {  	_ =	shalt  }
0x7f: {  	_ =	shalt  }
0x80: {  	_ =	shalt  }
0x81: {  	_ =	shalt  }
0x82: {  	_ =	shalt  }
0x83: {  	_ =	shalt  }
0x84: {  	_ =	shalt  }
0x85: {  	_ =	shalt  }
0x86: {  	_ =	shalt  }
0x87: {  	_ =	shalt  }
.Lfunc_end0:
.L_simem_size_0:
called_computation_lowered:
.L_overlay_start_0:
0x88: {  	s2 =	sld [smem:$0x3FD9]  }
0x89: {  	s3 =	sld [smem:$0x3FFE];
	_ =	sdelay $0x1  }
0x8a: {  	s1 =	srdreg.scid  }
0x8b: {  	s0 =	sand.u32 $0x1, s1  }
0x8c: {  	s16 =	sshll.u32 s0, $0xA;
	s2 =	sadd.s32 s3, s2  }
0x8d: {  	s2 =	sadd.s32 s2, s16  }
0x8e: {  	[smem:$0x3FB7] =	sst s2  }
0x8f: {  	_ = 	snop  }
0x90: {  	(tm) =	ssettm $0x1  }
0x91: {  	s17 =	sld [smem:$0x3FFB];
	_ =	sdelay $0x3  }
0x92: {  	_ =	strace s17  }
0x93: {  	s2 =	sld [smem:$0x3FFC];
	_ =	sdelay $0x3  }
0x94: {  	_ =	strace s2  }
0x95: {  	s2 =	sld [smem:$0x3FFD];
	_ =	sdelay $0x3  }
0x96: {  	_ =	strace s2  }
0x97: {  	_ =	strace $0x8FFFFFFF  }
0x98: {  	s18 =	sld [smem:$0x3FDB];
	_ =	sdelay $0x1  }
0x99: {  	s19 =	simm.s32 $_scs_section_size  }
0x9a: {  	s4 =	simm.s32 $_size__tile_overlayer_lowered;
	s5 =	simm.s32 $_tile_overlayer_lowered  }
0x9b: {  	s22 =	simm.s32 $0x1BFF;
	s21 =	sshll.u32 s5, $0x1;
	s2 =	sadd.s32 s19, s18  }
0x9c: {  	s6 =	simm.s32 $0x0;
	s20 =	sshll.u32 s4, $0x1;
	s4 =	sadd.s32 s21, s2  }
0x9d: {  	[timem:s6], [sflag:s22] =	dma.local [hbm:s4], s20  }
0x9e: {  	_ =	swait.ge [sflag:s22], s20  }
0x9f: {  	s3 =	ssub.s32 $0x0, s20;
	[sflag:s22] =	ssyncset.done $0x0  }
0xa0: {  	[sflag:s22] =	ssyncadd.s32 s3;
	_ =	sdelay $0x1  }
0xa1: {  	s23 =	simm.s32 $0x1B8B  }
0xa2: {  	_ =	swait.ge [sflag:s23], $0x1  }
0xa3: {  	[sflag:s23] =	ssyncset.done $0x0  }
0xa4: {  	s25 =	simm.s32 $0x1B8E;
	s24 =	sld [smem:$0x3FFE];
	[sflag:s23] =	ssyncadd.s32 $0xFFFFFFFF  }
0xa5: {  	s26 =	simm.s32 $execute0_lowered;
	[smem:$0x3FD2] =	sst s25  }
0xa6: {  	s4 =	sshll.u32 s26, $0x1;
	_ =	strace $0x80000046;
	[dreg:$0x1] =	wrdreg $0xFFFFFFFF  }
0xa7: {  	s28 =	simm.s32 $_size_execute0_lowered;
	s2 =	sadd.s32 s2, s4;
	[dreg:$0x0] =	wrdreg $0x0  }
0xa8: {  	s4 =	sshll.u32 s28, $0x1;
	[dreg:$0x2] =	wrdreg s2  }
0xa9: {  	[dreg:$0x3] =	wrdreg s4  }
0xaa: {  	[dreg:$0x4] =	wrdreg $0xC0  }
0xab: {  	_ =	task [dreg:s6], $0x5FFFF  }
0xac: {  	[dreg:$0x1] =	wrdreg $0xFFFFFFFF  }
0xad: {  	[dreg:$0x0] =	wrdreg $0x60  }
0xae: {  	[dreg:$0x2] =	wrdreg s24  }
0xaf: {  	[dreg:$0x3] =	wrdreg $0x29000  }
0xb0: {  	[dreg:$0x4] =	wrdreg $0x9  }
0xb1: {  	_ =	task.clear_ibuf [dreg:s6], $0x5FFFF;
	_ =	strace $0x90000046  }
0xb2: {  	s29 =	simm.s32 $0x9;
	_ =	strace $0x80000048  }
0xb3: {  	_ =	swait.ge [sflag:s29], $0x1  }
0xb4: {  	[sflag:s29] =	ssyncadd.s32 $0xFFFFFFFF  }
0xb5: {  	_ =	strace $0x90000048  }
0xb6: {  	_ =	sfence  }
0xb7: {  	s30 =	sld [smem:$0x0];
	_ =	sdelay $0x2  }
0xb8: {  	s31 =	sshll.u32 s1, $0xD;
	s1 =	sshrl.u32 s1, $0x2  }
0xb9: {  	s3 =	sand.u32 $0x4000, s31;
	s1 =	sadd.s32 s1, s30  }
0xba: {  	s0 =	sor.u32 s3, s0;
	s1 =	sshll.u32 s1, $0x11  }
0xbb: {  	s0 =	sor.u32 s1, s0  }
0xbc: {  	s0 =	sadd.s32 $0x8F2B, s0  }
0xbd: {  	[sflag:s0] =	ssyncadd.remote.s32 $0x1  }
0xbe: {  	_ =	sfence.sel $0xFFFF  }
0xbf: {  	[dreg:$0x0] =	wrdreg $0xFFFFFFFF;
	(pc) =	sbr.abs _section_cstart, $3  }
0xc0: {  	[dreg:$0x1] =	wrdreg $0xFFFFFFFF  }
0xc1: {  	_ =	task.clear_ibuf [dreg:s6], $0x2FFFF;
	_ =	strace $0x9FFFFFFF  }
0xc2: {  	(tm) =	ssettm $0x7FFFFFFF  }
0xc3: {  	_ =	shalt  }
tec
execute0_lowered:
.L_overlay_start_1:
0x0: {  	(tag) =	ssettag $0x1  }
0x1: {  	s6 =	rddreg [dreg:$0x0]  }
0x2: {  	s2 =	rddreg [dreg:$0x1]  }
0x3: {  	s0 =	srdreg.scid;
	s1 =	rddreg [dreg:$0x2]  }
0x4: {  	s3 =	simm.s32 $0x0;
	s13 =	simm.s32 $0x80;
	s7 =	sand.u32 $0x1, s0  }
0x5: {  	s14 =	simm.s32 $0x50;
	s0 =	stileid.u32;
	s4 =	smul.u32 $0x27100, s7  }
0x6: {  	s15 =	simm.s32 $0x100;
	s16 =	simm.s32 $0x1;
	s5 =	smul.u32 $0x2710, s0  }
0x7: {  	s17 =	simm.s32 $0x0;
	[smem:$0x7FF] =	sst s3;
	s8 =	smul.u32 $0x140000, s7  }
0x8: {  	s9 =	smul.u32 $0x14000, s0;
	_ =	strace $0x80000047;
	s7 =	ssub.s32 $0x2, s7  }
0x9: {  	s29 =	smul.u32 $0x50000, s0;
	s31 =	sshll.u32 s0, $0x6;
	s30 =	sshrl.u32 s7, $0x1  }
0xa: {  	s5 =	sadd.s32 s5, s4;
	s4 =	sadd.s32 $0x17C00, s6;
	s8 =	sadd.s32 s9, s8  }
0xb: {  	s9 =	sshrl.u32 s29, $0x2;
	s11 =	ssub.s32 s7, s30;
	s5 =	sshrl.u32 s5, $0x3  }
0xc: {  	s8 =	sshrl.u32 s8, $0x3;
	s12 =	sadd.s32 s9, s2;
	s10 =	sadd.s32 s5, s6  }
0xd: {  	s5 =	sadd.s32 $0x3EE00, s6;
	s8 =	sadd.s32 s8, s6;
	s6 =	sor.u32 $0x1C02, s31  }
0xe: {  	s7 =	sadd.s32 $0x41600, s8;
	s8 =	smax.u32 s11, $0x1;
	s9 =	sadd.s32 $0x4000, s10  }
0xf: {  	s10 =	sadd.s32 $0xDE00, s10;
	s11 =	sshrl.u32 s12, $0x3;
	s12 =	simm.s32 $0x2  }
.LBB2_1:
0x10: {  	[spmem:s11], [sflag:s6] =	dma.local [hbm:s5], $0x2800  }
0x11: {  	_ =	swait.ge [sflag:s12], $0x2800  }
0x12: {  	[sflag:s12] =	ssyncset.done $0x0  }
0x13: {  	[sflag:s12] =	ssyncadd.s32 $0xFFFFD800  }
0x14: {  	s18 =	sadd.s32 $0x0, s10;
	[bflag:$0x0] =	sbarrier.arrive $0xFFFF  }
0x15: {  	[tilespmem:s3], [sflag:$0x2] =	stream.linear.gather [hbm4b:s18+s3], $0x50, $0x38;
	[tilespmem:$0x16900] =	vst v63  }
0x16: {  	_ =	swait.ge [sflag:s12], $0x50  }
0x17: {  	[sflag:s12] =	ssyncset.done $0x0  }
0x18: {  	s31 =	sadd.s32 $0x0, s9;
	[sflag:s12] =	ssyncadd.s32 $0xFFFFFFB0  }
0x19: {  	[tilespmem:s13], [sflag:$0x2] =	stream.linear.gather [hbm4b:s31+s3], $0x50, $0x38;
	[tilespmem:$0x16900] =	vst v63  }
0x1a: {  	_ =	swait.ge [sflag:s12], $0x50  }
0x1b: {  	[sflag:s12] =	ssyncset.done $0x0  }
0x1c: {  	[sflag:s12] =	ssyncadd.s32 $0xFFFFFFB0  }
0x1d: {  	[tilespmem:s15], [sflag:$0x1] =	stream.indirect.gather [hbm4b:s4+s14], $0x80, s3, s14, $0xb8;
	[tilespmem:$0x16900] =	vst v63  }
0x1e: {  	_ =	swait.ge [sflag:s16], $0x2800  }
0x1f: {  	[sflag:s16] =	ssyncset.done $0x0  }
0x20: {  	[sflag:s16] =	ssyncadd.s32 $0xFFFFD800  }
0x21: {  	[spmem:s2] =	stream.indirect.scatter.add.f32 [tilespmem:s15], [sflag:$0x2], $0x80, s13, s14, $0xb8;
	[tilespmem:$0x16900] =	vst v63  }
0x22: {  	_ =	swait.ge [sflag:s12], $0x2800  }
0x23: {  	s19 =	simm.s32 $0x14;
	s18 =	simm.s32 $0xA;
	[sflag:s12] =	ssyncset.done $0x0  }
.LBB2_2:
0x24: {  	s20 =	sadd.s32 s18, s10  }
0x25: {  	[sflag:s12] =	ssyncadd.s32 $0xFFFFD800;
	s21 =	smov.u32 s19;
	s22 =	sadd.s32 $0xA, s19  }
0x26: {  	[tilespmem:s3], [sflag:$0x2] =	stream.linear.gather [hbm4b:s20+s3], $0x50, $0x38;
	[tilespmem:$0x16900] =	vst v63  }
0x27: {  	p0 =	sne.s32 s19, $0x4D8;
	_ =	swait.ge [sflag:s12], $0x50  }
0x28: {  	[sflag:s12] =	ssyncset.done $0x0  }
0x29: {  	s19 =	sadd.s32 s18, s9;
	s18 =	smov.u32 s21;
	[sflag:s12] =	ssyncadd.s32 $0xFFFFFFB0  }
0x2a: {  	[tilespmem:s13], [sflag:$0x2] =	stream.linear.gather [hbm4b:s19+s3], $0x50, $0x38;
	[tilespmem:$0x16900] =	vst v63  }
0x2b: {  	_ =	swait.ge [sflag:s12], $0x50  }
0x2c: {  	[sflag:s12] =	ssyncset.done $0x0  }
0x2d: {  	[sflag:s12] =	ssyncadd.s32 $0xFFFFFFB0  }
0x2e: {  	[tilespmem:s15], [sflag:$0x1] =	stream.indirect.gather [hbm4b:s4+s14], $0x80, s3, s14, $0xb8;
	[tilespmem:$0x16900] =	vst v63  }
0x2f: {  	_ =	swait.ge [sflag:s16], $0x2800  }
.Ltmp0:
0x30: {  	[sflag:s16] =	ssyncset.done $0x0;
	(pc) =	sbr.rel @p0 .LBB2_2-.Ltmp0, $4  }
0x31: {  	[sflag:s16] =	ssyncadd.s32 $0xFFFFD800  }
0x32: {  	[spmem:s2] =	stream.indirect.scatter.add.f32 [tilespmem:s15], [sflag:$0x2], $0x80, s13, s14, $0xb8;
	[tilespmem:$0x16900] =	vst v63  }
0x33: {  	_ =	swait.ge [sflag:s12], $0x2800  }
0x34: {  	s19 =	smov.u32 s22;
	[sflag:s12] =	ssyncset.done $0x0  }
0x35: {  	s19 =	sadd.s32 s18, s10;
	[sflag:s12] =	ssyncadd.s32 $0xFFFFD800  }
0x36: {  	[tilespmem:s3], [sflag:$0x2] =	stream.linear.gather [hbm4b:s19+s3], $0x50, $0x38;
	[tilespmem:$0x16900] =	vst v63  }
0x37: {  	_ =	swait.ge [sflag:s12], $0x50  }
0x38: {  	[sflag:s12] =	ssyncset.done $0x0  }
0x39: {  	s31 =	sadd.s32 s18, s9;
	[sflag:s12] =	ssyncadd.s32 $0xFFFFFFB0  }
0x3a: {  	[tilespmem:s13], [sflag:$0x2] =	stream.linear.gather [hbm4b:s31+s3], $0x50, $0x38;
	[tilespmem:$0x16900] =	vst v63  }
0x3b: {  	_ =	swait.ge [sflag:s12], $0x50  }
0x3c: {  	[sflag:s12] =	ssyncset.done $0x0  }
0x3d: {  	[sflag:s12] =	ssyncadd.s32 $0xFFFFFFB0  }
0x3e: {  	[tilespmem:s15], [sflag:$0x1] =	stream.indirect.gather [hbm4b:s4+s14], $0x80, s3, s14, $0xb8;
	[tilespmem:$0x16900] =	vst v63  }
0x3f: {  	_ =	swait.ge [sflag:s16], $0x2800  }
0x40: {  	[sflag:s16] =	ssyncset.done $0x0  }
0x41: {  	[sflag:s16] =	ssyncadd.s32 $0xFFFFD800  }
0x42: {  	[spmem:s2] =	stream.indirect.scatter.add.f32 [tilespmem:s15], [sflag:$0x2], $0x80, s13, s14, $0xb8;
	[tilespmem:$0x16900] =	vst v63  }
0x43: {  	_ =	swait.ge [sflag:s12], $0x2800  }
0x44: {  	s17 =	sadd.s32 $0x1, s17;
	[sflag:s12] =	ssyncset.done $0x0  }
0x45: {  	p0 =	sne.s32 s17, s8;
	[sflag:s12] =	ssyncadd.s32 $0xFFFFD800  }
.Ltmp1:
0x46: {  	[bflag:$0x0] =	sbarrier.arrive $0xFFFF;
	(pc) =	sbr.rel @p0 .LBB2_1-.Ltmp1, $4  }
0x47: {  	[hbm:s7], [sflag:s6] =	dma.local [spmem:s11], $0x2800  }
0x48: {  	_ =	swait.ge [sflag:s12], $0x2800  }
0x49: {  	[sflag:s12] =	ssyncset.done $0x0  }
0x4a: {  	[sflag:s12] =	ssyncadd.s32 $0xFFFFD800  }
0x4b: {  	_ =	sfence.sel $0x180000  }
0x4c: {  	[bflag:$0x0] =	sbarrier.arrive $0xFFFF  }
0x4d: {  	p0 =	sne.s32 s0, $0x0;
	_ =	strace $0x90000047  }
0x4e: {  	s0 =	sadd.s32 @!p0 $0x100000, s1;
	[bflag:$0x2] =	sbarrier.arrive $0xFFFF  }
0x4f: {  	[sflag:s0] =	ssyncadd.tile.s32 @!p0 $0x1;
	_ =	shalt  }
.Lfunc_end2:
_tile_overlayer_lowered:
.L_overlay_start_2:
0x50: {  	(tag) =	ssettag $0x2  }
0x51: {  	s0 =	rddreg [dreg:$0x0];
	s2 =	stileid.u32  }
0x52: {  	s1 =	rddreg [dreg:$0x1];
	p0 =	sne.s32 s2, $0x0  }
0x53: {  	s3 =	rddreg [dreg:$0x2];
	[bflag:$0x3] =	sbarrier.arrive $0xFFFF;
	s2 =	simm.s32 @!p0 $0x1C02  }
0x54: {  	[timem:s3], [sflag:s2] =	dma.local @!p0 [hbm:s0], s1  }
0x55: {  	s0 =	simm.s32 @!p0 $0x2  }
0x56: {  	_ =	swait.ge @!p0 [sflag:s0], s1  }
0x57: {  	s1 =	ssub.s32 @!p0 $0x0, s1;
	[sflag:s0] =	ssyncset.done @!p0 $0x0  }
0x58: {  	[sflag:s0] =	ssyncadd.s32 @!p0 s1  }
0x59: {  	[bflag:$0x3] =	sbarrier.arrive $0xFFFF  }
0x5a: {  	_ =	shalt  }

</sc_bundles>
